<compile_context>
chip_gen: v7x
topology: tpu7x:2x2x1
jax: 0.10.2.dev20260603
libtpu: 0.0.44.dev20260713+nightly
codegen_flags: <defaults>
</compile_context>

<pallas_src>
import functools

import jax
import jax.numpy as jnp
from jax import lax
from jax.experimental import pallas as pl
from jax.experimental.pallas import tpu as pltpu
from jax.experimental.pallas import tpu_sc as plsc

B = 16
T = 16384
D = 128
NR_PAD = 8
TB = 4096
NBT = T // TB
NA = 2
NB_ = NBT - NA
TA = NA * TB
TBK = NB_ * TB
NEG = -1e30
CLAMP = -1e20


def _sc_info():
    try:
        info = plsc.get_sparse_core_info()
        return info.num_cores, info.num_subcores
    except Exception:
        return 2, 16


def _make_sc_gather(with_qj, tok_base, n_tok):
    NC, NS = _sc_info()
    NW = NC * NS
    rows_per_w = n_tok // NW
    mesh = plsc.VectorSubcoreMesh(core_axis_name="c", subcore_axis_name="s")

    out_type = [jax.ShapeDtypeStruct((n_tok, D), jnp.float32)]
    scratch = [
        pltpu.VMEM((rows_per_w,), jnp.int32),
        pltpu.VMEM((rows_per_w, D), jnp.float32),
        pltpu.SemaphoreType.DMA,
    ]
    if with_qj:
        out_type.append(jax.ShapeDtypeStruct((B, D), jnp.float32))
        scratch += [pltpu.VMEM((B,), jnp.int32), pltpu.VMEM((B, D), jnp.float32)]

    @functools.partial(
        pl.kernel,
        mesh=mesh,
        out_type=out_type,
        scratch_types=scratch,
        compiler_params=pltpu.CompilerParams(use_tc_tiling_on_sc=True),
    )
    def sc_gather(u_table, u_idx, *rest):
        if with_qj:
            i_table, v_idx, pt_out, qj_out, idx_v, rows_v, sem, vidx_v, vrows_v = rest
        else:
            pt_out, idx_v, rows_v, sem = rest
        wid = lax.axis_index("s") * NC + lax.axis_index("c")
        base = wid * rows_per_w
        pltpu.sync_copy(u_idx.at[pl.ds(tok_base + base, rows_per_w)], idx_v)
        pltpu.async_copy(u_table.at[idx_v], rows_v, sem).wait()
        pltpu.sync_copy(rows_v, pt_out.at[pl.ds(base, rows_per_w)])

        if with_qj:
            @pl.when(wid == 0)
            def _():
                pltpu.sync_copy(v_idx, vidx_v)
                pltpu.async_copy(i_table.at[vidx_v], vrows_v, sem).wait()
                pltpu.sync_copy(vrows_v, qj_out)

    return sc_gather


def _dot_t(x, w):
    return lax.dot_general(x, w, (((1,), (1,)), ((), ())),
                           preferred_element_type=jnp.float32)


def _bdot_t(x, w):
    return lax.dot_general(x.astype(jnp.bfloat16), w.astype(jnp.bfloat16),
                           (((1,), (1,)), ((), ())),
                           preferred_element_type=jnp.float32)


def _dot(x, w):
    return lax.dot_general(x, w, (((1,), (0,)), ((), ())),
                           preferred_element_type=jnp.float32)


def _dot00(x, w):
    return lax.dot_general(x, w, (((0,), (0,)), ((), ())),
                           preferred_element_type=jnp.float32)


def _mlp_chunk(pt_ref, seg_ref, rat_ref, g1_ref, g2_ref, a1_ref, a2_ref,
               a3_ref, a3b_ref, g2b_ref, a2b_ref,
               erp_sc, qjp_sc, s_sc, fjt_sc):
    pt = pt_ref[...]
    seg = seg_ref[...].reshape(1, TB)
    rat = rat_ref[...].reshape(1, TB)
    oh_s = (seg == lax.broadcasted_iota(jnp.int32, (B, TB), 0)
            ).astype(jnp.float32)
    oh_r = (rat == lax.broadcasted_iota(jnp.int32, (NR_PAD, TB), 0)
            ).astype(jnp.float32)

    g1 = g1_ref[...]
    a1 = a1_ref[...]

    ec = _dot00(oh_r, erp_sc[...])
    qc = _dot00(oh_s, qjp_sc[...])

    NS_ = 4
    HB = TB // NS_
    g2 = g2_ref[...]
    a2 = a2_ref[...]
    a3 = a3_ref[...]
    g2b = g2b_ref[...]
    a2b = a2b_ref[...]
    sl = [slice(k * HB, (k + 1) * HB) for k in range(NS_)]
    hs = [jnp.maximum(_bdot_t(pt[s], g1[:, :D]) + ec[s], 0.0) for s in sl]
    fs = [jnp.maximum(_bdot_t(h, g2) + g2b, 0.0) for h in hs]
    xs = [jnp.maximum(_bdot_t(f, a1[:, :D]) + qc[s], 0.0)
          for f, s in zip(fs, sl)]
    ys = [jnp.maximum(_bdot_t(x, a2) + a2b, 0.0) for x in xs]
    s_sc[...] = jnp.concatenate(
        [_bdot_t(a3, y) for y in ys], axis=1) + a3b_ref[0, 0]
    fjt_sc[...] = jnp.concatenate(fs, axis=0)


def _state_update(seg, s_sc, fjt_sc, m_sc, l_sc, zacc_sc):
    oh_s = (seg == lax.broadcasted_iota(jnp.int32, (B, TB), 0)
            ).astype(jnp.float32)
    s_tok = s_sc[...]
    smat = jnp.where(oh_s > 0.0, s_tok, NEG)
    m_old = m_sc[...]
    m_new = jnp.maximum(m_old, jnp.max(smat, axis=1, keepdims=True))
    mc = jnp.maximum(m_new, CLAMP)
    scale = jnp.exp(m_old - mc)
    m_tok = _dot00(mc, oh_s)
    e_tok = jnp.exp(s_tok - m_tok)
    et = oh_s * e_tok
    l_sum = lax.dot_general(oh_s, e_tok, (((1,), (1,)), ((), ())),
                            preferred_element_type=jnp.float32)
    l_sc[...] = l_sc[...] * scale + l_sum
    m_sc[...] = m_new

    eye = (lax.broadcasted_iota(jnp.int32, (B, B), 0)
           == lax.broadcasted_iota(jnp.int32, (B, B), 1))
    dscale = jnp.where(eye, _dot(scale, jnp.ones((1, B), jnp.float32)), 0.0)
    zacc_sc[...] = _dot(dscale, zacc_sc[...]) + _dot(et, fjt_sc[...])


def _proj_init(er_ref, qj_ref, g1_ref, a1_ref, g1b_ref, a1b_ref,
               erp_sc, qjp_sc):
    erp_sc[...] = (_dot_t(er_ref[...], g1_ref[...][:, D:])
                   + g1b_ref[...])
    qjp_sc[...] = (_dot_t(qj_ref[...], a1_ref[...][:, D:])
                   + a1b_ref[...])


def _tc_body_a(pt_ref, qj_ref, seg_ref, rat_ref, segp_ref, er_ref, g1_ref,
               g2_ref, a1_ref, a2_ref, a3_ref, g1b_ref, g2b_ref, a1b_ref,
               a2b_ref, a3b_ref, m_ref, l_ref, zacc_ref, qjp_ref,
               m_sc, l_sc, zacc_sc, erp_sc, qjp_sc, s_sc, fjt_sc):
    i = pl.program_id(0)

    @pl.when(i == 0)
    def _():
        m_sc[...] = jnp.full((B, 1), NEG, jnp.float32)
        l_sc[...] = jnp.zeros((B, 1), jnp.float32)
        zacc_sc[...] = jnp.zeros((B, D), jnp.float32)
        s_sc[...] = jnp.full((1, TB), NEG, jnp.float32)
        fjt_sc[...] = jnp.zeros((TB, D), jnp.float32)
        _proj_init(er_ref, qj_ref, g1_ref, a1_ref, g1b_ref, a1b_ref,
                   erp_sc, qjp_sc)

    _state_update(segp_ref[...].reshape(1, TB), s_sc, fjt_sc,
                  m_sc, l_sc, zacc_sc)

    _mlp_chunk(pt_ref, seg_ref, rat_ref, g1_ref, g2_ref, a1_ref, a2_ref,
               a3_ref, a3b_ref, g2b_ref, a2b_ref,
               erp_sc, qjp_sc, s_sc, fjt_sc)

    @pl.when(i == NA - 1)
    def _():
        _state_update(seg_ref[...].reshape(1, TB), s_sc, fjt_sc,
                      m_sc, l_sc, zacc_sc)
        m_ref[...] = m_sc[...]
        l_ref[...] = l_sc[...]
        zacc_ref[...] = zacc_sc[...]
        qjp_ref[...] = qjp_sc[...]


def _tc_body_b(pt_ref, seg_ref, rat_ref, segp_ref, er_ref, g1_ref, g2_ref,
               a1_ref, a2_ref, a3_ref, g1b_ref, g2b_ref, a1b_ref, a2b_ref,
               a3b_ref, m_in, l_in, zacc_in, qjp_in, z_ref,
               m_sc, l_sc, zacc_sc, erp_sc, qjp_sc, s_sc, fjt_sc):
    i = pl.program_id(0)

    @pl.when(i == 0)
    def _():
        m_sc[...] = m_in[...]
        l_sc[...] = l_in[...]
        zacc_sc[...] = zacc_in[...]
        qjp_sc[...] = qjp_in[...]
        s_sc[...] = jnp.full((1, TB), NEG, jnp.float32)
        fjt_sc[...] = jnp.zeros((TB, D), jnp.float32)
        erp_sc[...] = (_dot_t(er_ref[...], g1_ref[...][:, D:])
                       + g1b_ref[...])

    _state_update(segp_ref[...].reshape(1, TB), s_sc, fjt_sc,
                  m_sc, l_sc, zacc_sc)

    _mlp_chunk(pt_ref, seg_ref, rat_ref, g1_ref, g2_ref, a1_ref, a2_ref,
               a3_ref, a3b_ref, g2b_ref, a2b_ref,
               erp_sc, qjp_sc, s_sc, fjt_sc)

    @pl.when(i == NB_ - 1)
    def _():
        _state_update(seg_ref[...].reshape(1, TB), s_sc, fjt_sc,
                      m_sc, l_sc, zacc_sc)
        eye = (lax.broadcasted_iota(jnp.int32, (B, B), 0)
               == lax.broadcasted_iota(jnp.int32, (B, B), 1))
        recip = 1.0 / jnp.maximum(l_sc[...], 1e-30)
        drec = jnp.where(eye, _dot(recip, jnp.ones((1, B), jnp.float32)), 0.0)
        z_ref[...] = _dot(drec, zacc_sc[...])


_SCRATCH = [
    pltpu.VMEM((B, 1), jnp.float32),
    pltpu.VMEM((B, 1), jnp.float32),
    pltpu.VMEM((B, D), jnp.float32),
    pltpu.VMEM((NR_PAD, D), jnp.float32),
    pltpu.VMEM((B, D), jnp.float32),
    pltpu.VMEM((1, TB), jnp.float32),
    pltpu.VMEM((TB, D), jnp.float32),
]

_full = lambda s: pl.BlockSpec(s, lambda i: tuple(0 for _ in s))
_W_SPECS = [
    _full((NR_PAD, D)), _full((D, 2 * D)), _full((D, D)), _full((D, 2 * D)),
    _full((D, D)), _full((1, D)), _full((1, D)), _full((1, D)), _full((1, D)),
    _full((1, D)), _full((1, 1)),
]
_STATE_SHAPES = [
    jax.ShapeDtypeStruct((B, 1), jnp.float32),
    jax.ShapeDtypeStruct((B, 1), jnp.float32),
    jax.ShapeDtypeStruct((B, D), jnp.float32),
    jax.ShapeDtypeStruct((B, D), jnp.float32),
]
_STATE_SPECS = [_full((B, 1)), _full((B, 1)), _full((B, D)), _full((B, D))]


def _tc_pass_a(pt, qj, seg3, rat3, er_pad, *weights):
    return pl.pallas_call(
        _tc_body_a,
        grid=(NA,),
        in_specs=[
            pl.BlockSpec((TB, D), lambda i: (i, 0)),
            _full((B, D)),
            pl.BlockSpec((1, 1, TB), lambda i: (i, 0, 0)),
            pl.BlockSpec((1, 1, TB), lambda i: (i, 0, 0)),
            pl.BlockSpec((1, 1, TB), lambda i: (jnp.maximum(i - 1, 0), 0, 0)),
        ] + _W_SPECS,
        out_specs=_STATE_SPECS,
        out_shape=_STATE_SHAPES,
        scratch_shapes=_SCRATCH,
    )(pt, qj, seg3, rat3, seg3, er_pad, *weights)


def _tc_pass_b(pt, seg3, rat3, er_pad, state, *weights):
    return pl.pallas_call(
        _tc_body_b,
        grid=(NB_,),
        in_specs=[
            pl.BlockSpec((TB, D), lambda i: (i, 0)),
            pl.BlockSpec((1, 1, TB), lambda i: (i + NA, 0, 0)),
            pl.BlockSpec((1, 1, TB), lambda i: (i + NA, 0, 0)),
            pl.BlockSpec((1, 1, TB),
                         lambda i: (jnp.maximum(i - 1, 0) + NA, 0, 0)),
        ] + _W_SPECS + _STATE_SPECS,
        out_specs=_full((B, D)),
        out_shape=jax.ShapeDtypeStruct((B, D), jnp.float32),
        scratch_shapes=_SCRATCH,
    )(pt, seg3, rat3, seg3, er_pad, *weights, *state)


def kernel(nodes_v, flat_users, flat_ratings, segment_ids, embed_u_w,
           embed_i_w, embed_r_w, g1_w, g1_b, g2_w, g2_b, a1_w, a1_b,
           a2_w, a2_b, a3_w, a3_b):
    sc_a = _make_sc_gather(True, 0, TA)
    sc_b = _make_sc_gather(False, TA, TBK)
    pt_a, qj = sc_a(embed_u_w, flat_users, embed_i_w, nodes_v)
    pt_b, = sc_b(embed_u_w, flat_users)

    seg3 = segment_ids.reshape(NBT, 1, TB)
    rat3 = flat_ratings.reshape(NBT, 1, TB)
    er_pad = jnp.zeros((NR_PAD, D), jnp.float32).at[:5].set(embed_r_w)
    weights = (g1_w, g2_w, a1_w, a2_w, a3_w,
               g1_b.reshape(1, D), g2_b.reshape(1, D), a1_b.reshape(1, D),
               a2_b.reshape(1, D), a3_b.reshape(1, 1))

    state = _tc_pass_a(pt_a, qj, seg3, rat3, er_pad, *weights)
    return _tc_pass_b(pt_b, seg3, rat3, er_pad, state, *weights)

# --- scband reference (transcript-rebuilt; emitter-appended) ---
"""Pipeline reference for scband-item-modeling-11304353923459 (READ-ONLY COPY).

The authoritative reference and input builder live on the scoring server;
editing this copy changes nothing except your own understanding.
"""

import jax, jax.numpy as jnp
import numpy as np

B = 16
T = 16384
D = 128
NU = 100000
NI = 100000
NR = 5


def linear(x, w, b):
    return x @ w.T + b


def setup_inputs(seed: int = 0) -> dict:
    key = jax.random.key(seed)
    ks = jax.random.split(key, 20)
    nodes_v = jax.random.randint(ks[0], (B,), 0, NI, dtype=jnp.int32)
    flat_users = jax.random.randint(ks[1], (T,), 0, NU, dtype=jnp.int32)
    flat_ratings = jax.random.randint(ks[2], (T,), 0, NR, dtype=jnp.int32)
    segment_ids = jnp.sort(jax.random.randint(ks[3], (T,), 0, B, dtype=jnp.int32))
    embed_u_w = jax.random.normal(ks[4], (NU, D), dtype=jnp.float32) * 0.05
    embed_i_w = jax.random.normal(ks[5], (NI, D), dtype=jnp.float32) * 0.05
    embed_r_w = jax.random.normal(ks[6], (NR, D), dtype=jnp.float32) * 0.05
    g1_w = jax.random.normal(ks[7], (D, 2 * D), dtype=jnp.float32) * 0.05
    g1_b = jnp.zeros((D,), dtype=jnp.float32)
    g2_w = jax.random.normal(ks[8], (D, D), dtype=jnp.float32) * 0.05
    g2_b = jnp.zeros((D,), dtype=jnp.float32)
    a1_w = jax.random.normal(ks[9], (D, 2 * D), dtype=jnp.float32) * 0.05
    a1_b = jnp.zeros((D,), dtype=jnp.float32)
    a2_w = jax.random.normal(ks[10], (D, D), dtype=jnp.float32) * 0.05
    a2_b = jnp.zeros((D,), dtype=jnp.float32)
    a3_w = jax.random.normal(ks[11], (1, D), dtype=jnp.float32) * 0.05
    a3_b = jnp.zeros((1,), dtype=jnp.float32)
    return dict(nodes_v=nodes_v, flat_users=flat_users, flat_ratings=flat_ratings,
                segment_ids=segment_ids, embed_u_w=embed_u_w, embed_i_w=embed_i_w,
                embed_r_w=embed_r_w, g1_w=g1_w, g1_b=g1_b, g2_w=g2_w, g2_b=g2_b,
                a1_w=a1_w, a1_b=a1_b, a2_w=a2_w, a2_b=a2_b, a3_w=a3_w, a3_b=a3_b)


def reference(nodes_v, flat_users, flat_ratings, segment_ids, embed_u_w, embed_i_w,
              embed_r_w, g1_w, g1_b, g2_w, g2_b, a1_w, a1_b, a2_w, a2_b, a3_w, a3_b):
    # per-token embeddings (pt = user embed of history neighbor, er = rating embed)
    pt = jnp.take(embed_u_w, flat_users, axis=0)          # [T, D]
    er = jnp.take(embed_r_w, flat_ratings, axis=0)        # [T, D]
    # fjt = gu(cat(pt, er)) : MLP(2D -> D) with two relu layers
    h = jax.nn.relu(linear(jnp.concatenate([pt, er], axis=-1), g1_w, g1_b))
    fjt = jax.nn.relu(linear(h, g2_w, g2_b))              # [T, D]
    # qj = item embedding, broadcast per token via segment_ids (u_rep.repeat)
    qj = jnp.take(embed_i_w, nodes_v, axis=0)             # [B, D]
    pi = jnp.take(qj, segment_ids, axis=0)                # [T, D]
    # attention MLP (dropout is identity in eval mode)
    a = jax.nn.relu(linear(jnp.concatenate([fjt, pi], axis=-1), a1_w, a1_b))
    a = jax.nn.relu(linear(a, a2_w, a2_b))
    s = linear(a, a3_w, a3_b)[:, 0]                       # [T]
    # per-segment softmax (softmax over dim=0 within each history list)
    m = jax.ops.segment_max(s, segment_ids, num_segments=B)
    e = jnp.exp(s - jnp.take(m, segment_ids, axis=0))
    denom = jax.ops.segment_sum(e, segment_ids, num_segments=B)
    alpha = e / jnp.take(denom, segment_ids, axis=0)      # [T]
    # zj = fjt^T @ mu_jt per segment -> weighted sum
    z = jax.ops.segment_sum(fjt * alpha[:, None], segment_ids, num_segments=B)
    return z

if __name__ == "__main__":
    import jax
    _d = setup_inputs()
    print(jax.jit(kernel)(*tuple(_d.values())))

</pallas_src>

<mosaic_0001>
#map = affine_map<(d0, d1) -> (0, 0)>
#map1 = affine_map<(d0, d1) -> (0)>
module attributes {stable_mosaic.version = 14 : i64} {
  func.func @sc_gather(%arg0: i32, %arg1: i32, %arg2: memref<100000x128xf32, #tpu.memory_space<hbm>>, %arg3: memref<16384xi32, #tpu.memory_space<hbm>>, %arg4: memref<8192x128xf32, #tpu.memory_space<hbm>>, %arg5: memref<256xi32, #tpu.memory_space<vmem>>, %arg6: memref<256x128xf32, #tpu.memory_space<vmem>>, %arg7: memref<!tpu.dma_semaphore, #tpu.memory_space<semaphore_mem>>) attributes {dimension_semantics = [#tpu.dimension_semantics<core_parallel>, #tpu.dimension_semantics<subcore_parallel>], iteration_bounds = array<i64: 2, 16>, scalar_prefetch = 0 : i64, scratch_operands = 3 : i64, tpu.core_type = #tpu.core_type<sc_vector_subcore>, window_params = [{transform_indices = #map}, {transform_indices = #map1}, {transform_indices = #map}]} {
    %mul3A = arith.constant 2 : i32
    %mul3A_0 = arith.muli %arg1, %mul3A : i32
    %add3A = arith.addi %mul3A_0, %arg0 : i32
    %mul3A_1 = arith.constant 256 : i32
    %mul3A_2 = arith.muli %add3A, %mul3A_1 : i32
    %add3A_3 = arith.constant 8192 : i32
    %add3A_4 = arith.addi %add3A_3, %mul3A_2 : i32
    "tpu.region"() ({
      %run_scoped3A = tpu.sem_alloc : memref<!tpu.dma_semaphore, #tpu.memory_space<semaphore_mem>>
      %dma_start3A_9 = tpu.memref_slice %arg3[%add3A_4] : memref<16384xi32, #tpu.memory_space<hbm>> -> memref<256xi32, #tpu.memory_space<hbm>>
      %dma_start3A_10 = tpu.memref_slice %arg3[%add3A_4] : memref<16384xi32, #tpu.memory_space<hbm>> -> memref<256xi32, #tpu.memory_space<hbm>>
      tpu.enqueue_dma source(%dma_start3A_10 : memref<256xi32, #tpu.memory_space<hbm>>) target(%arg5 : memref<256xi32, #tpu.memory_space<vmem>>) target_semaphore(%run_scoped3A : memref<!tpu.dma_semaphore, #tpu.memory_space<semaphore_mem>>)
      %dma_wait3A_11 = tpu.memref_slice %arg3[%add3A_4] : memref<16384xi32, #tpu.memory_space<hbm>> -> memref<256xi32, #tpu.memory_space<hbm>>
      %dma_wait3A_12 = tpu.memref_slice %arg3[%add3A_4] : memref<16384xi32, #tpu.memory_space<hbm>> -> memref<256xi32, #tpu.memory_space<hbm>>
      tpu.wait_dma2 semaphore(%run_scoped3A : memref<!tpu.dma_semaphore, #tpu.memory_space<semaphore_mem>>) src(%dma_wait3A_12 : memref<256xi32, #tpu.memory_space<hbm>>) dst(%arg5 : memref<256xi32, #tpu.memory_space<vmem>>)
      tpu.yield
    }) : () -> ()
    %dma_start3A = arith.constant 0 : i32
    %dma_start3A_5 = arith.constant 0 : i32
    %dma_start3A_6 = tpu.memref_slice %arg2[%dma_start3A, %dma_start3A_5] : memref<100000x128xf32, #tpu.memory_space<hbm>> -> memref<100000x128xf32, #tpu.memory_space<hbm>>
    tpu.enqueue_indirect_dma source(%dma_start3A_6 : memref<100000x128xf32, #tpu.memory_space<hbm>>) target(%arg6 : memref<256x128xf32, #tpu.memory_space<vmem>>) offsets(%arg5 : memref<256xi32, #tpu.memory_space<vmem>>) semaphore(%arg7 : memref<!tpu.dma_semaphore, #tpu.memory_space<semaphore_mem>>)
    %dma_wait3A = arith.constant 0 : i32
    %dma_wait3A_7 = arith.constant 0 : i32
    %dma_wait3A_8 = tpu.memref_slice %arg2[%dma_wait3A, %dma_wait3A_7] : memref<100000x128xf32, #tpu.memory_space<hbm>> -> memref<100000x128xf32, #tpu.memory_space<hbm>>
    tpu.wait_indirect_dma semaphore(%arg7 : memref<!tpu.dma_semaphore, #tpu.memory_space<semaphore_mem>>) src(%dma_wait3A_8 : memref<100000x128xf32, #tpu.memory_space<hbm>>) dst(%arg6 : memref<256x128xf32, #tpu.memory_space<vmem>>)
    "tpu.region"() ({
      %run_scoped3A = tpu.sem_alloc : memref<!tpu.dma_semaphore, #tpu.memory_space<semaphore_mem>>
      %dma_start3A_9 = arith.constant 0 : i32
      %dma_start3A_10 = tpu.memref_slice %arg4[%mul3A_2, %dma_start3A_9] : memref<8192x128xf32, #tpu.memory_space<hbm>> -> memref<256x128xf32, #tpu.memory_space<hbm>>
      %dma_start3A_11 = arith.constant 0 : i32
      %dma_start3A_12 = tpu.memref_slice %arg4[%mul3A_2, %dma_start3A_11] : memref<8192x128xf32, #tpu.memory_space<hbm>> -> memref<256x128xf32, #tpu.memory_space<hbm>>
      tpu.enqueue_dma source(%arg6 : memref<256x128xf32, #tpu.memory_space<vmem>>) target(%dma_start3A_12 : memref<256x128xf32, #tpu.memory_space<hbm>>) target_semaphore(%run_scoped3A : memref<!tpu.dma_semaphore, #tpu.memory_space<semaphore_mem>>)
      %dma_wait3A_13 = arith.constant 0 : i32
      %dma_wait3A_14 = tpu.memref_slice %arg4[%mul3A_2, %dma_wait3A_13] : memref<8192x128xf32, #tpu.memory_space<hbm>> -> memref<256x128xf32, #tpu.memory_space<hbm>>
      %dma_wait3A_15 = arith.constant 0 : i32
      %dma_wait3A_16 = tpu.memref_slice %arg4[%mul3A_2, %dma_wait3A_15] : memref<8192x128xf32, #tpu.memory_space<hbm>> -> memref<256x128xf32, #tpu.memory_space<hbm>>
      tpu.wait_dma2 semaphore(%run_scoped3A : memref<!tpu.dma_semaphore, #tpu.memory_space<semaphore_mem>>) src(%arg6 : memref<256x128xf32, #tpu.memory_space<vmem>>) dst(%dma_wait3A_16 : memref<256x128xf32, #tpu.memory_space<hbm>>)
      tpu.yield
    }) : () -> ()
    return
  }
}

#map = affine_map<(d0, d1) -> (0, 0)>
#map1 = affine_map<(d0, d1) -> (0)>
module attributes {stable_mosaic.version = 14 : i64} {
  func.func @sc_gather(%arg0: i32, %arg1: i32, %arg2: memref<100000x128xf32, #tpu.memory_space<hbm>>, %arg3: memref<16384xi32, #tpu.memory_space<hbm>>, %arg4: memref<100000x128xf32, #tpu.memory_space<hbm>>, %arg5: memref<16xi32, #tpu.memory_space<hbm>>, %arg6: memref<8192x128xf32, #tpu.memory_space<hbm>>, %arg7: memref<16x128xf32, #tpu.memory_space<hbm>>, %arg8: memref<256xi32, #tpu.memory_space<vmem>>, %arg9: memref<256x128xf32, #tpu.memory_space<vmem>>, %arg10: memref<!tpu.dma_semaphore, #tpu.memory_space<semaphore_mem>>, %arg11: memref<16xi32, #tpu.memory_space<vmem>>, %arg12: memref<16x128xf32, #tpu.memory_space<vmem>>) attributes {dimension_semantics = [#tpu.dimension_semantics<core_parallel>, #tpu.dimension_semantics<subcore_parallel>], iteration_bounds = array<i64: 2, 16>, scalar_prefetch = 0 : i64, scratch_operands = 5 : i64, tpu.core_type = #tpu.core_type<sc_vector_subcore>, window_params = [{transform_indices = #map}, {transform_indices = #map1}, {transform_indices = #map}, {transform_indices = #map1}, {transform_indices = #map}, {transform_indices = #map}]} {
    %mul3A = arith.constant 2 : i32
    %mul3A_0 = arith.muli %arg1, %mul3A : i32
    %add3A = arith.addi %mul3A_0, %arg0 : i32
    %mul3A_1 = arith.constant 256 : i32
    %mul3A_2 = arith.muli %add3A, %mul3A_1 : i32
    %add3A_3 = arith.constant 0 : i32
    %add3A_4 = arith.addi %add3A_3, %mul3A_2 : i32
    "tpu.region"() ({
      %run_scoped3A = tpu.sem_alloc : memref<!tpu.dma_semaphore, #tpu.memory_space<semaphore_mem>>
      %dma_start3A_11 = tpu.memref_slice %arg3[%add3A_4] : memref<16384xi32, #tpu.memory_space<hbm>> -> memref<256xi32, #tpu.memory_space<hbm>>
      %dma_start3A_12 = tpu.memref_slice %arg3[%add3A_4] : memref<16384xi32, #tpu.memory_space<hbm>> -> memref<256xi32, #tpu.memory_space<hbm>>
      tpu.enqueue_dma source(%dma_start3A_12 : memref<256xi32, #tpu.memory_space<hbm>>) target(%arg8 : memref<256xi32, #tpu.memory_space<vmem>>) target_semaphore(%run_scoped3A : memref<!tpu.dma_semaphore, #tpu.memory_space<semaphore_mem>>)
      %dma_wait3A_13 = tpu.memref_slice %arg3[%add3A_4] : memref<16384xi32, #tpu.memory_space<hbm>> -> memref<256xi32, #tpu.memory_space<hbm>>
      %dma_wait3A_14 = tpu.memref_slice %arg3[%add3A_4] : memref<16384xi32, #tpu.memory_space<hbm>> -> memref<256xi32, #tpu.memory_space<hbm>>
      tpu.wait_dma2 semaphore(%run_scoped3A : memref<!tpu.dma_semaphore, #tpu.memory_space<semaphore_mem>>) src(%dma_wait3A_14 : memref<256xi32, #tpu.memory_space<hbm>>) dst(%arg8 : memref<256xi32, #tpu.memory_space<vmem>>)
      tpu.yield
    }) : () -> ()
    %dma_start3A = arith.constant 0 : i32
    %dma_start3A_5 = arith.constant 0 : i32
    %dma_start3A_6 = tpu.memref_slice %arg2[%dma_start3A, %dma_start3A_5] : memref<100000x128xf32, #tpu.memory_space<hbm>> -> memref<100000x128xf32, #tpu.memory_space<hbm>>
    tpu.enqueue_indirect_dma source(%dma_start3A_6 : memref<100000x128xf32, #tpu.memory_space<hbm>>) target(%arg9 : memref<256x128xf32, #tpu.memory_space<vmem>>) offsets(%arg8 : memref<256xi32, #tpu.memory_space<vmem>>) semaphore(%arg10 : memref<!tpu.dma_semaphore, #tpu.memory_space<semaphore_mem>>)
    %dma_wait3A = arith.constant 0 : i32
    %dma_wait3A_7 = arith.constant 0 : i32
    %dma_wait3A_8 = tpu.memref_slice %arg2[%dma_wait3A, %dma_wait3A_7] : memref<100000x128xf32, #tpu.memory_space<hbm>> -> memref<100000x128xf32, #tpu.memory_space<hbm>>
    tpu.wait_indirect_dma semaphore(%arg10 : memref<!tpu.dma_semaphore, #tpu.memory_space<semaphore_mem>>) src(%dma_wait3A_8 : memref<100000x128xf32, #tpu.memory_space<hbm>>) dst(%arg9 : memref<256x128xf32, #tpu.memory_space<vmem>>)
    "tpu.region"() ({
      %run_scoped3A = tpu.sem_alloc : memref<!tpu.dma_semaphore, #tpu.memory_space<semaphore_mem>>
      %dma_start3A_11 = arith.constant 0 : i32
      %dma_start3A_12 = tpu.memref_slice %arg6[%mul3A_2, %dma_start3A_11] : memref<8192x128xf32, #tpu.memory_space<hbm>> -> memref<256x128xf32, #tpu.memory_space<hbm>>
      %dma_start3A_13 = arith.constant 0 : i32
      %dma_start3A_14 = tpu.memref_slice %arg6[%mul3A_2, %dma_start3A_13] : memref<8192x128xf32, #tpu.memory_space<hbm>> -> memref<256x128xf32, #tpu.memory_space<hbm>>
      tpu.enqueue_dma source(%arg9 : memref<256x128xf32, #tpu.memory_space<vmem>>) target(%dma_start3A_14 : memref<256x128xf32, #tpu.memory_space<hbm>>) target_semaphore(%run_scoped3A : memref<!tpu.dma_semaphore, #tpu.memory_space<semaphore_mem>>)
      %dma_wait3A_15 = arith.constant 0 : i32
      %dma_wait3A_16 = tpu.memref_slice %arg6[%mul3A_2, %dma_wait3A_15] : memref<8192x128xf32, #tpu.memory_space<hbm>> -> memref<256x128xf32, #tpu.memory_space<hbm>>
      %dma_wait3A_17 = arith.constant 0 : i32
      %dma_wait3A_18 = tpu.memref_slice %arg6[%mul3A_2, %dma_wait3A_17] : memref<8192x128xf32, #tpu.memory_space<hbm>> -> memref<256x128xf32, #tpu.memory_space<hbm>>
      tpu.wait_dma2 semaphore(%run_scoped3A : memref<!tpu.dma_semaphore, #tpu.memory_space<semaphore_mem>>) src(%arg9 : memref<256x128xf32, #tpu.memory_space<vmem>>) dst(%dma_wait3A_18 : memref<256x128xf32, #tpu.memory_space<hbm>>)
      tpu.yield
    }) : () -> ()
    %eq3A = arith.constant 0 : i32
    %eq3A_9 = arith.cmpi eq, %add3A, %eq3A : i32
    %convert_element_type3A = arith.extui %eq3A_9 : i1 to i32
    %cond3A = arith.constant 0 : i32
    %cond3A_10 = arith.cmpi ne, %convert_element_type3A, %cond3A : i32
    scf.if %cond3A_10 {
      "tpu.region"() ({
        %run_scoped3A = tpu.sem_alloc : memref<!tpu.dma_semaphore, #tpu.memory_space<semaphore_mem>>
        tpu.enqueue_dma source(%arg5 : memref<16xi32, #tpu.memory_space<hbm>>) target(%arg11 : memref<16xi32, #tpu.memory_space<vmem>>) target_semaphore(%run_scoped3A : memref<!tpu.dma_semaphore, #tpu.memory_space<semaphore_mem>>)
        tpu.wait_dma2 semaphore(%run_scoped3A : memref<!tpu.dma_semaphore, #tpu.memory_space<semaphore_mem>>) src(%arg5 : memref<16xi32, #tpu.memory_space<hbm>>) dst(%arg11 : memref<16xi32, #tpu.memory_space<vmem>>)
        tpu.yield
      }) : () -> ()
      %dma_start3A_11 = arith.constant 0 : i32
      %dma_start3A_12 = arith.constant 0 : i32
      %dma_start3A_13 = tpu.memref_slice %arg4[%dma_start3A_11, %dma_start3A_12] : memref<100000x128xf32, #tpu.memory_space<hbm>> -> memref<100000x128xf32, #tpu.memory_space<hbm>>
      tpu.enqueue_indirect_dma source(%dma_start3A_13 : memref<100000x128xf32, #tpu.memory_space<hbm>>) target(%arg12 : memref<16x128xf32, #tpu.memory_space<vmem>>) offsets(%arg11 : memref<16xi32, #tpu.memory_space<vmem>>) semaphore(%arg10 : memref<!tpu.dma_semaphore, #tpu.memory_space<semaphore_mem>>)
      %dma_wait3A_14 = arith.constant 0 : i32
      %dma_wait3A_15 = arith.constant 0 : i32
      %dma_wait3A_16 = tpu.memref_slice %arg4[%dma_wait3A_14, %dma_wait3A_15] : memref<100000x128xf32, #tpu.memory_space<hbm>> -> memref<100000x128xf32, #tpu.memory_space<hbm>>
      tpu.wait_indirect_dma semaphore(%arg10 : memref<!tpu.dma_semaphore, #tpu.memory_space<semaphore_mem>>) src(%dma_wait3A_16 : memref<100000x128xf32, #tpu.memory_space<hbm>>) dst(%arg12 : memref<16x128xf32, #tpu.memory_space<vmem>>)
      "tpu.region"() ({
        %run_scoped3A = tpu.sem_alloc : memref<!tpu.dma_semaphore, #tpu.memory_space<semaphore_mem>>
        tpu.enqueue_dma source(%arg12 : memref<16x128xf32, #tpu.memory_space<vmem>>) target(%arg7 : memref<16x128xf32, #tpu.memory_space<hbm>>) target_semaphore(%run_scoped3A : memref<!tpu.dma_semaphore, #tpu.memory_space<semaphore_mem>>)
        tpu.wait_dma2 semaphore(%run_scoped3A : memref<!tpu.dma_semaphore, #tpu.memory_space<semaphore_mem>>) src(%arg12 : memref<16x128xf32, #tpu.memory_space<vmem>>) dst(%arg7 : memref<16x128xf32, #tpu.memory_space<hbm>>)
        tpu.yield
      }) : () -> ()
    } else {
    }
    return
  }
}

module attributes {stable_mosaic.version = 14 : i64} {
  func.func @_tc_body_a(%arg0: i32, %arg1: memref<4096x128xf32, #tpu.memory_space<vmem>>, %arg2: memref<16x128xf32, #tpu.memory_space<vmem>>, %arg3: memref<1x1x4096xi32, #tpu.memory_space<vmem>>, %arg4: memref<1x1x4096xi32, #tpu.memory_space<vmem>>, %arg5: memref<1x1x4096xi32, #tpu.memory_space<vmem>>, %arg6: memref<8x128xf32, #tpu.memory_space<vmem>>, %arg7: memref<128x256xf32, #tpu.memory_space<vmem>>, %arg8: memref<128x128xf32, #tpu.memory_space<vmem>>, %arg9: memref<128x256xf32, #tpu.memory_space<vmem>>, %arg10: memref<128x128xf32, #tpu.memory_space<vmem>>, %arg11: memref<1x128xf32, #tpu.memory_space<vmem>>, %arg12: memref<1x128xf32, #tpu.memory_space<vmem>>, %arg13: memref<1x128xf32, #tpu.memory_space<vmem>>, %arg14: memref<1x128xf32, #tpu.memory_space<vmem>>, %arg15: memref<1x128xf32, #tpu.memory_space<vmem>>, %arg16: memref<1x1xf32, #tpu.memory_space<vmem>>, %arg17: memref<16x1xf32, #tpu.memory_space<vmem>>, %arg18: memref<16x1xf32, #tpu.memory_space<vmem>>, %arg19: memref<16x128xf32, #tpu.memory_space<vmem>>, %arg20: memref<16x128xf32, #tpu.memory_space<vmem>>, %arg21: memref<16x1xf32, #tpu.memory_space<vmem>>, %arg22: memref<16x1xf32, #tpu.memory_space<vmem>>, %arg23: memref<16x128xf32, #tpu.memory_space<vmem>>, %arg24: memref<8x128xf32, #tpu.memory_space<vmem>>, %arg25: memref<16x128xf32, #tpu.memory_space<vmem>>, %arg26: memref<1x4096xf32, #tpu.memory_space<vmem>>, %arg27: memref<4096x128xf32, #tpu.memory_space<vmem>>) attributes {dimension_semantics = [#tpu.dimension_semantics<arbitrary>], iteration_bounds = array<i64: 2>, scalar_prefetch = 0 : i64, scratch_operands = 7 : i64, tpu.core_type = #tpu.core_type<tc>, window_params = [{transform_indices = @transform_0, window_bounds = array<i64: 4096, 128>}, {pipeline_mode = #tpu.pipeline_mode<synchronous>, transform_indices = @transform_1, window_bounds = array<i64: 16, 128>}, {transform_indices = @transform_2, window_bounds = array<i64: 1, 1, 4096>}, {transform_indices = @transform_3, window_bounds = array<i64: 1, 1, 4096>}, {transform_indices = @transform_4, window_bounds = array<i64: 1, 1, 4096>}, {pipeline_mode = #tpu.pipeline_mode<synchronous>, transform_indices = @transform_5, window_bounds = array<i64: 8, 128>}, {pipeline_mode = #tpu.pipeline_mode<synchronous>, transform_indices = @transform_6, window_bounds = array<i64: 128, 256>}, {pipeline_mode = #tpu.pipeline_mode<synchronous>, transform_indices = @transform_7, window_bounds = array<i64: 128, 128>}, {pipeline_mode = #tpu.pipeline_mode<synchronous>, transform_indices = @transform_8, window_bounds = array<i64: 128, 256>}, {pipeline_mode = #tpu.pipeline_mode<synchronous>, transform_indices = @transform_9, window_bounds = array<i64: 128, 128>}, {pipeline_mode = #tpu.pipeline_mode<synchronous>, transform_indices = @transform_10, window_bounds = array<i64: 1, 128>}, {pipeline_mode = #tpu.pipeline_mode<synchronous>, transform_indices = @transform_11, window_bounds = array<i64: 1, 128>}, {pipeline_mode = #tpu.pipeline_mode<synchronous>, transform_indices = @transform_12, window_bounds = array<i64: 1, 128>}, {pipeline_mode = #tpu.pipeline_mode<synchronous>, transform_indices = @transform_13, window_bounds = array<i64: 1, 128>}, {pipeline_mode = #tpu.pipeline_mode<synchronous>, transform_indices = @transform_14, window_bounds = array<i64: 1, 128>}, {pipeline_mode = #tpu.pipeline_mode<synchronous>, transform_indices = @transform_15, window_bounds = array<i64: 1, 1>}, {pipeline_mode = #tpu.pipeline_mode<synchronous>, transform_indices = @transform_16, window_bounds = array<i64: 16, 1>}, {pipeline_mode = #tpu.pipeline_mode<synchronous>, transform_indices = @transform_17, window_bounds = array<i64: 16, 1>}, {pipeline_mode = #tpu.pipeline_mode<synchronous>, transform_indices = @transform_18, window_bounds = array<i64: 16, 128>}, {pipeline_mode = #tpu.pipeline_mode<synchronous>, transform_indices = @transform_19, window_bounds = array<i64: 16, 128>}]} {
    %eq3A = arith.constant 0 : i32
    %eq3A_0 = arith.cmpi eq, %arg0, %eq3A : i32
    %convert_element_type3A = arith.extui %eq3A_0 : i1 to i32
    %cond3A = arith.constant 0 : i32
    %cond3A_1 = arith.cmpi ne, %convert_element_type3A, %cond3A : i32
    scf.if %cond3A_1 {
      %broadcast_in_dim3A_306 = arith.constant -1.000000e+30 : f32
      %broadcast_in_dim3A_307 = vector.broadcast %broadcast_in_dim3A_306 : f32 to vector<16x1xf32>
      %swap3A_308 = arith.constant 0 : index
      %swap3A_309 = arith.constant 0 : index
      %swap3A_310 = vector.load %arg21[%swap3A_308, %swap3A_309] : memref<16x1xf32, #tpu.memory_space<vmem>>, vector<16x1xf32>
      tpu.vector_store %arg21[%swap3A_308, %swap3A_309], %broadcast_in_dim3A_307 {strides = array<i32>} : memref<16x1xf32, #tpu.memory_space<vmem>>, vector<16x1xf32>,
      %broadcast_in_dim3A_311 = arith.constant 0.000000e+00 : f32
      %broadcast_in_dim3A_312 = vector.broadcast %broadcast_in_dim3A_311 : f32 to vector<16x1xf32>
      %swap3A_313 = arith.constant 0 : index
      %swap3A_314 = arith.constant 0 : index
      %swap3A_315 = vector.load %arg22[%swap3A_313, %swap3A_314] : memref<16x1xf32, #tpu.memory_space<vmem>>, vector<16x1xf32>
      tpu.vector_store %arg22[%swap3A_313, %swap3A_314], %broadcast_in_dim3A_312 {strides = array<i32>} : memref<16x1xf32, #tpu.memory_space<vmem>>, vector<16x1xf32>,
      %broadcast_in_dim3A_316 = arith.constant 0.000000e+00 : f32
      %broadcast_in_dim3A_317 = vector.broadcast %broadcast_in_dim3A_316 : f32 to vector<16x128xf32>
      %swap3A_318 = arith.constant 0 : index
      %swap3A_319 = arith.constant 0 : index
      %swap3A_320 = vector.load %arg23[%swap3A_318, %swap3A_319] : memref<16x128xf32, #tpu.memory_space<vmem>>, vector<16x128xf32>
      tpu.vector_store %arg23[%swap3A_318, %swap3A_319], %broadcast_in_dim3A_317 {strides = array<i32>} : memref<16x128xf32, #tpu.memory_space<vmem>>, vector<16x128xf32>,
      %broadcast_in_dim3A_321 = arith.constant -1.000000e+30 : f32
      %broadcast_in_dim3A_322 = vector.broadcast %broadcast_in_dim3A_321 : f32 to vector<1x4096xf32>
      %swap3A_323 = arith.constant 0 : index
      %swap3A_324 = arith.constant 0 : index
      %swap3A_325 = vector.load %arg26[%swap3A_323, %swap3A_324] : memref<1x4096xf32, #tpu.memory_space<vmem>>, vector<1x4096xf32>
      tpu.vector_store %arg26[%swap3A_323, %swap3A_324], %broadcast_in_dim3A_322 {strides = array<i32>} : memref<1x4096xf32, #tpu.memory_space<vmem>>, vector<1x4096xf32>,
      %broadcast_in_dim3A_326 = arith.constant 0.000000e+00 : f32
      %broadcast_in_dim3A_327 = vector.broadcast %broadcast_in_dim3A_326 : f32 to vector<4096x128xf32>
      %swap3A_328 = arith.constant 0 : index
      %swap3A_329 = arith.constant 0 : index
      %swap3A_330 = vector.load %arg27[%swap3A_328, %swap3A_329] : memref<4096x128xf32, #tpu.memory_space<vmem>>, vector<4096x128xf32>
      tpu.vector_store %arg27[%swap3A_328, %swap3A_329], %broadcast_in_dim3A_327 {strides = array<i32>} : memref<4096x128xf32, #tpu.memory_space<vmem>>, vector<4096x128xf32>,
      %get3A_331 = arith.constant 0 : index
      %get3A_332 = arith.constant 0 : index
      %get3A_333 = vector.load %arg6[%get3A_331, %get3A_332] : memref<8x128xf32, #tpu.memory_space<vmem>>, vector<8x128xf32>
      %get3A_334 = arith.constant 0 : index
      %get3A_335 = arith.constant 0 : index
      %get3A_336 = vector.load %arg7[%get3A_334, %get3A_335] : memref<128x256xf32, #tpu.memory_space<vmem>>, vector<128x256xf32>
      %slice3A_337 = vector.extract_strided_slice %get3A_336 {offsets = [0, 128], sizes = [128, 128], strides = [1, 1]} : vector<128x256xf32> to vector<128x128xf32>
      %dot_general3A_338 = arith.constant dense<0.000000e+00> : vector<8x128xf32>
      %dot_general3A_339 = tpu.matmul %get3A_333, %slice3A_337, %dot_general3A_338 {dimension_numbers = #tpu.dot_dimension_numbers<[1], [1], [0], [0], [0, 0, 1, 0], [], []>, transpose_lhs_hint = false} : vector<8x128xf32>, vector<128x128xf32>, vector<8x128xf32> -> vector<8x128xf32>
      %get3A_340 = arith.constant 0 : index
      %get3A_341 = arith.constant 0 : index
      %get3A_342 = vector.load %arg12[%get3A_340, %get3A_341] : memref<1x128xf32, #tpu.memory_space<vmem>>, vector<1x128xf32>
      %add3A_343 = vector.broadcast %get3A_342 : vector<1x128xf32> to vector<8x128xf32>
      %add3A_344 = arith.addf %dot_general3A_339, %add3A_343 : vector<8x128xf32>
      %swap3A_345 = arith.constant 0 : index
      %swap3A_346 = arith.constant 0 : index
      %swap3A_347 = vector.load %arg24[%swap3A_345, %swap3A_346] : memref<8x128xf32, #tpu.memory_space<vmem>>, vector<8x128xf32>
      tpu.vector_store %arg24[%swap3A_345, %swap3A_346], %add3A_344 {strides = array<i32>} : memref<8x128xf32, #tpu.memory_space<vmem>>, vector<8x128xf32>,
      %get3A_348 = arith.constant 0 : index
      %get3A_349 = arith.constant 0 : index
      %get3A_350 = vector.load %arg2[%get3A_348, %get3A_349] : memref<16x128xf32, #tpu.memory_space<vmem>>, vector<16x128xf32>
      %get3A_351 = arith.constant 0 : index
      %get3A_352 = arith.constant 0 : index
      %get3A_353 = vector.load %arg9[%get3A_351, %get3A_352] : memref<128x256xf32, #tpu.memory_space<vmem>>, vector<128x256xf32>
      %slice3A_354 = vector.extract_strided_slice %get3A_353 {offsets = [0, 128], sizes = [128, 128], strides = [1, 1]} : vector<128x256xf32> to vector<128x128xf32>
      %dot_general3A_355 = arith.constant dense<0.000000e+00> : vector<16x128xf32>
      %dot_general3A_356 = tpu.matmul %get3A_350, %slice3A_354, %dot_general3A_355 {dimension_numbers = #tpu.dot_dimension_numbers<[1], [1], [0], [0], [0, 0, 1, 0], [], []>, transpose_lhs_hint = false} : vector<16x128xf32>, vector<128x128xf32>, vector<16x128xf32> -> vector<16x128xf32>
      %get3A_357 = arith.constant 0 : index
      %get3A_358 = arith.constant 0 : index
      %get3A_359 = vector.load %arg14[%get3A_357, %get3A_358] : memref<1x128xf32, #tpu.memory_space<vmem>>, vector<1x128xf32>
      %add3A_360 = vector.broadcast %get3A_359 : vector<1x128xf32> to vector<16x128xf32>
      %add3A_361 = arith.addf %dot_general3A_356, %add3A_360 : vector<16x128xf32>
      %swap3A_362 = arith.constant 0 : index
      %swap3A_363 = arith.constant 0 : index
      %swap3A_364 = vector.load %arg25[%swap3A_362, %swap3A_363] : memref<16x128xf32, #tpu.memory_space<vmem>>, vector<16x128xf32>
      tpu.vector_store %arg25[%swap3A_362, %swap3A_363], %add3A_361 {strides = array<i32>} : memref<16x128xf32, #tpu.memory_space<vmem>>, vector<16x128xf32>,
    } else {
    }
    %get3A = arith.constant 0 : index
    %get3A_2 = arith.constant 0 : index
    %get3A_3 = arith.constant 0 : index
    %get3A_4 = vector.load %arg5[%get3A, %get3A_2, %get3A_3] : memref<1x1x4096xi32, #tpu.memory_space<vmem>>, vector<1x1x4096xi32>
    %reshape3A = vector.shape_cast %get3A_4 : vector<1x1x4096xi32> to vector<1x4096xi32>
    %iota3A = tpu.iota {dimensions = array<i32: 0>} : vector<16x4096xi32>
    %eq3A_5 = vector.broadcast %reshape3A : vector<1x4096xi32> to vector<16x4096xi32>
    %eq3A_6 = arith.cmpi eq, %eq3A_5, %iota3A : vector<16x4096xi32>
    %convert_element_type3A_7 = arith.extui %eq3A_6 : vector<16x4096xi1> to vector<16x4096xi32>
    %convert_element_type3A_8 = arith.sitofp %convert_element_type3A_7 : vector<16x4096xi32> to vector<16x4096xf32>
    %get3A_9 = arith.constant 0 : index
    %get3A_10 = arith.constant 0 : index
    %get3A_11 = vector.load %arg26[%get3A_9, %get3A_10] : memref<1x4096xf32, #tpu.memory_space<vmem>>, vector<1x4096xf32>
    %gt3A = arith.constant 0.000000e+00 : f32
    %gt3A_12 = vector.broadcast %gt3A : f32 to vector<16x4096xf32>
    %gt3A_13 = arith.cmpf ogt, %convert_element_type3A_8, %gt3A_12 : vector<16x4096xf32>
    %jit3A = arith.constant -1.000000e+30 : f32
    %broadcast_in_dim3A = vector.shape_cast %get3A_11 : vector<1x4096xf32> to vector<1x4096xf32>
    %broadcast_in_dim3A_14 = vector.broadcast %broadcast_in_dim3A : vector<1x4096xf32> to vector<16x4096xf32>
    %broadcast_in_dim3A_15 = vector.broadcast %jit3A : f32 to vector<16x4096xf32>
    %select_n3A = arith.select %gt3A_13, %broadcast_in_dim3A_14, %broadcast_in_dim3A_15 : vector<16x4096xi1>, vector<16x4096xf32>
    %get3A_16 = arith.constant 0 : index
    %get3A_17 = arith.constant 0 : index
    %get3A_18 = vector.load %arg21[%get3A_16, %get3A_17] : memref<16x1xf32, #tpu.memory_space<vmem>>, vector<16x1xf32>
    %reduce_max3A = arith.constant dense<0xFF800000> : vector<16xf32>
    %reduce_max3A_19 = vector.multi_reduction <maximumf>, %select_n3A, %reduce_max3A [1] : vector<16x4096xf32> to vector<16xf32>
    %broadcast_in_dim3A_20 = vector.shape_cast %reduce_max3A_19 : vector<16xf32> to vector<16x1xf32>
    %max3A = arith.maximumf %get3A_18, %broadcast_in_dim3A_20 : vector<16x1xf32>
    %max3A_21 = arith.constant -1.000000e+20 : f32
    %max3A_22 = vector.broadcast %max3A_21 : f32 to vector<16x1xf32>
    %max3A_23 = arith.maximumf %max3A, %max3A_22 : vector<16x1xf32>
    %sub3A = arith.subf %get3A_18, %max3A_23 : vector<16x1xf32>
    %exp3A = math.exp %sub3A : vector<16x1xf32>
    %dot_general3A = arith.constant dense<0.000000e+00> : vector<1x4096xf32>
    %dot_general3A_24 = tpu.matmul %max3A_23, %convert_element_type3A_8, %dot_general3A {dimension_numbers = #tpu.dot_dimension_numbers<[0], [0], [1], [1], [0, 1, 1, 1], [], []>, transpose_lhs_hint = false} : vector<16x1xf32>, vector<16x4096xf32>, vector<1x4096xf32> -> vector<1x4096xf32>
    %sub3A_25 = arith.subf %get3A_11, %dot_general3A_24 : vector<1x4096xf32>
    %exp3A_26 = math.exp %sub3A_25 : vector<1x4096xf32>
    %mul3A = vector.broadcast %exp3A_26 : vector<1x4096xf32> to vector<16x4096xf32>
    %mul3A_27 = arith.mulf %convert_element_type3A_8, %mul3A : vector<16x4096xf32>
    %dot_general3A_28 = arith.constant dense<0.000000e+00> : vector<16x1xf32>
    %dot_general3A_29 = tpu.matmul %convert_element_type3A_8, %exp3A_26, %dot_general3A_28 {dimension_numbers = #tpu.dot_dimension_numbers<[1], [1], [0], [0], [0, 0, 1, 0], [], []>, transpose_lhs_hint = false} : vector<16x4096xf32>, vector<1x4096xf32>, vector<16x1xf32> -> vector<16x1xf32>
    %get3A_30 = arith.constant 0 : index
    %get3A_31 = arith.constant 0 : index
    %get3A_32 = vector.load %arg22[%get3A_30, %get3A_31] : memref<16x1xf32, #tpu.memory_space<vmem>>, vector<16x1xf32>
    %mul3A_33 = arith.mulf %get3A_32, %exp3A : vector<16x1xf32>
    %add3A = arith.addf %mul3A_33, %dot_general3A_29 : vector<16x1xf32>
    %swap3A = arith.constant 0 : index
    %swap3A_34 = arith.constant 0 : index
    %swap3A_35 = vector.load %arg22[%swap3A, %swap3A_34] : memref<16x1xf32, #tpu.memory_space<vmem>>, vector<16x1xf32>
    tpu.vector_store %arg22[%swap3A, %swap3A_34], %add3A {strides = array<i32>} : memref<16x1xf32, #tpu.memory_space<vmem>>, vector<16x1xf32>,
    %swap3A_36 = arith.constant 0 : index
    %swap3A_37 = arith.constant 0 : index
    %swap3A_38 = vector.load %arg21[%swap3A_36, %swap3A_37] : memref<16x1xf32, #tpu.memory_space<vmem>>, vector<16x1xf32>
    tpu.vector_store %arg21[%swap3A_36, %swap3A_37], %max3A {strides = array<i32>} : memref<16x1xf32, #tpu.memory_space<vmem>>, vector<16x1xf32>,
    %iota3A_39 = tpu.iota {dimensions = array<i32: 0>} : vector<16x16xi32>
    %iota3A_40 = tpu.iota {dimensions = array<i32: 1>} : vector<16x16xi32>
    %eq3A_41 = arith.cmpi eq, %iota3A_39, %iota3A_40 : vector<16x16xi32>
    %broadcast_in_dim3A_42 = arith.constant 1.000000e+00 : f32
    %broadcast_in_dim3A_43 = vector.broadcast %broadcast_in_dim3A_42 : f32 to vector<1x16xf32>
    %dot_general3A_44 = arith.constant dense<0.000000e+00> : vector<16x16xf32>
    %dot_general3A_45 = tpu.matmul %exp3A, %broadcast_in_dim3A_43, %dot_general3A_44 {dimension_numbers = #tpu.dot_dimension_numbers<[1], [0], [0], [1], [0, 0, 1, 1], [], []>, transpose_lhs_hint = false} : vector<16x1xf32>, vector<1x16xf32>, vector<16x16xf32> -> vector<16x16xf32>
    %jit3A_46 = arith.constant 0.000000e+00 : f32
    %broadcast_in_dim3A_47 = vector.broadcast %jit3A_46 : f32 to vector<16x16xf32>
    %select_n3A_48 = arith.select %eq3A_41, %dot_general3A_45, %broadcast_in_dim3A_47 : vector<16x16xi1>, vector<16x16xf32>
    %get3A_49 = arith.constant 0 : index
    %get3A_50 = arith.constant 0 : index
    %get3A_51 = vector.load %arg23[%get3A_49, %get3A_50] : memref<16x128xf32, #tpu.memory_space<vmem>>, vector<16x128xf32>
    %dot_general3A_52 = arith.constant dense<0.000000e+00> : vector<16x128xf32>
    %dot_general3A_53 = tpu.matmul %select_n3A_48, %get3A_51, %dot_general3A_52 {dimension_numbers = #tpu.dot_dimension_numbers<[1], [0], [0], [1], [0, 0, 1, 1], [], []>, transpose_lhs_hint = false} : vector<16x16xf32>, vector<16x128xf32>, vector<16x128xf32> -> vector<16x128xf32>
    %get3A_54 = arith.constant 0 : index
    %get3A_55 = arith.constant 0 : index
    %get3A_56 = vector.load %arg27[%get3A_54, %get3A_55] : memref<4096x128xf32, #tpu.memory_space<vmem>>, vector<4096x128xf32>
    %dot_general3A_57 = arith.constant dense<0.000000e+00> : vector<16x128xf32>
    %dot_general3A_58 = tpu.matmul %mul3A_27, %get3A_56, %dot_general3A_57 {dimension_numbers = #tpu.dot_dimension_numbers<[1], [0], [0], [1], [0, 0, 1, 1], [], []>, transpose_lhs_hint = false} : vector<16x4096xf32>, vector<4096x128xf32>, vector<16x128xf32> -> vector<16x128xf32>
    %add3A_59 = arith.addf %dot_general3A_53, %dot_general3A_58 : vector<16x128xf32>
    %swap3A_60 = arith.constant 0 : index
    %swap3A_61 = arith.constant 0 : index
    %swap3A_62 = vector.load %arg23[%swap3A_60, %swap3A_61] : memref<16x128xf32, #tpu.memory_space<vmem>>, vector<16x128xf32>
    tpu.vector_store %arg23[%swap3A_60, %swap3A_61], %add3A_59 {strides = array<i32>} : memref<16x128xf32, #tpu.memory_space<vmem>>, vector<16x128xf32>,
    %get3A_63 = arith.constant 0 : index
    %get3A_64 = arith.constant 0 : index
    %get3A_65 = vector.load %arg1[%get3A_63, %get3A_64] : memref<4096x128xf32, #tpu.memory_space<vmem>>, vector<4096x128xf32>
    %get3A_66 = arith.constant 0 : index
    %get3A_67 = arith.constant 0 : index
    %get3A_68 = arith.constant 0 : index
    %get3A_69 = vector.load %arg3[%get3A_66, %get3A_67, %get3A_68] : memref<1x1x4096xi32, #tpu.memory_space<vmem>>, vector<1x1x4096xi32>
    %reshape3A_70 = vector.shape_cast %get3A_69 : vector<1x1x4096xi32> to vector<1x4096xi32>
    %get3A_71 = arith.constant 0 : index
    %get3A_72 = arith.constant 0 : index
    %get3A_73 = arith.constant 0 : index
    %get3A_74 = vector.load %arg4[%get3A_71, %get3A_72, %get3A_73] : memref<1x1x4096xi32, #tpu.memory_space<vmem>>, vector<1x1x4096xi32>
    %reshape3A_75 = vector.shape_cast %get3A_74 : vector<1x1x4096xi32> to vector<1x4096xi32>
    %iota3A_76 = tpu.iota {dimensions = array<i32: 0>} : vector<16x4096xi32>
    %eq3A_77 = vector.broadcast %reshape3A_70 : vector<1x4096xi32> to vector<16x4096xi32>
    %eq3A_78 = arith.cmpi eq, %eq3A_77, %iota3A_76 : vector<16x4096xi32>
    %convert_element_type3A_79 = arith.extui %eq3A_78 : vector<16x4096xi1> to vector<16x4096xi32>
    %convert_element_type3A_80 = arith.sitofp %convert_element_type3A_79 : vector<16x4096xi32> to vector<16x4096xf32>
    %iota3A_81 = tpu.iota {dimensions = array<i32: 0>} : vector<8x4096xi32>
    %eq3A_82 = vector.broadcast %reshape3A_75 : vector<1x4096xi32> to vector<8x4096xi32>
    %eq3A_83 = arith.cmpi eq, %eq3A_82, %iota3A_81 : vector<8x4096xi32>
    %convert_element_type3A_84 = arith.extui %eq3A_83 : vector<8x4096xi1> to vector<8x4096xi32>
    %convert_element_type3A_85 = arith.sitofp %convert_element_type3A_84 : vector<8x4096xi32> to vector<8x4096xf32>
    %get3A_86 = arith.constant 0 : index
    %get3A_87 = arith.constant 0 : index
    %get3A_88 = vector.load %arg7[%get3A_86, %get3A_87] : memref<128x256xf32, #tpu.memory_space<vmem>>, vector<128x256xf32>
    %get3A_89 = arith.constant 0 : index
    %get3A_90 = arith.constant 0 : index
    %get3A_91 = vector.load %arg9[%get3A_89, %get3A_90] : memref<128x256xf32, #tpu.memory_space<vmem>>, vector<128x256xf32>
    %get3A_92 = arith.constant 0 : index
    %get3A_93 = arith.constant 0 : index
    %get3A_94 = vector.load %arg24[%get3A_92, %get3A_93] : memref<8x128xf32, #tpu.memory_space<vmem>>, vector<8x128xf32>
    %dot_general3A_95 = arith.constant dense<0.000000e+00> : vector<4096x128xf32>
    %dot_general3A_96 = tpu.matmul %convert_element_type3A_85, %get3A_94, %dot_general3A_95 {dimension_numbers = #tpu.dot_dimension_numbers<[0], [0], [1], [1], [0, 1, 1, 1], [], []>, transpose_lhs_hint = false} : vector<8x4096xf32>, vector<8x128xf32>, vector<4096x128xf32> -> vector<4096x128xf32>
    %get3A_97 = arith.constant 0 : index
    %get3A_98 = arith.constant 0 : index
    %get3A_99 = vector.load %arg25[%get3A_97, %get3A_98] : memref<16x128xf32, #tpu.memory_space<vmem>>, vector<16x128xf32>
    %dot_general3A_100 = arith.constant dense<0.000000e+00> : vector<4096x128xf32>
    %dot_general3A_101 = tpu.matmul %convert_element_type3A_80, %get3A_99, %dot_general3A_100 {dimension_numbers = #tpu.dot_dimension_numbers<[0], [0], [1], [1], [0, 1, 1, 1], [], []>, transpose_lhs_hint = false} : vector<16x4096xf32>, vector<16x128xf32>, vector<4096x128xf32> -> vector<4096x128xf32>
    %get3A_102 = arith.constant 0 : index
    %get3A_103 = arith.constant 0 : index
    %get3A_104 = vector.load %arg8[%get3A_102, %get3A_103] : memref<128x128xf32, #tpu.memory_space<vmem>>, vector<128x128xf32>
    %get3A_105 = arith.constant 0 : index
    %get3A_106 = arith.constant 0 : index
    %get3A_107 = vector.load %arg10[%get3A_105, %get3A_106] : memref<128x128xf32, #tpu.memory_space<vmem>>, vector<128x128xf32>
    %get3A_108 = arith.constant 0 : index
    %get3A_109 = arith.constant 0 : index
    %get3A_110 = vector.load %arg11[%get3A_108, %get3A_109] : memref<1x128xf32, #tpu.memory_space<vmem>>, vector<1x128xf32>
    %get3A_111 = arith.constant 0 : index
    %get3A_112 = arith.constant 0 : index
    %get3A_113 = vector.load %arg13[%get3A_111, %get3A_112] : memref<1x128xf32, #tpu.memory_space<vmem>>, vector<1x128xf32>
    %get3A_114 = arith.constant 0 : index
    %get3A_115 = arith.constant 0 : index
    %get3A_116 = vector.load %arg15[%get3A_114, %get3A_115] : memref<1x128xf32, #tpu.memory_space<vmem>>, vector<1x128xf32>
    %slice3A = vector.extract_strided_slice %get3A_65 {offsets = [0, 0], sizes = [1024, 128], strides = [1, 1]} : vector<4096x128xf32> to vector<1024x128xf32>
    %slice3A_117 = vector.extract_strided_slice %get3A_88 {offsets = [0, 0], sizes = [128, 128], strides = [1, 1]} : vector<128x256xf32> to vector<128x128xf32>
    %convert_element_type3A_118 = arith.truncf %slice3A : vector<1024x128xf32> to vector<1024x128xbf16>
    %convert_element_type3A_119 = arith.truncf %slice3A_117 : vector<128x128xf32> to vector<128x128xbf16>
    %dot_general3A_120 = arith.constant dense<0.000000e+00> : vector<1024x128xf32>
    %dot_general3A_121 = tpu.matmul %convert_element_type3A_118, %convert_element_type3A_119, %dot_general3A_120 {dimension_numbers = #tpu.dot_dimension_numbers<[1], [1], [0], [0], [0, 0, 1, 0], [], []>, transpose_lhs_hint = false} : vector<1024x128xbf16>, vector<128x128xbf16>, vector<1024x128xf32> -> vector<1024x128xf32>
    %slice3A_122 = vector.extract_strided_slice %dot_general3A_96 {offsets = [0, 0], sizes = [1024, 128], strides = [1, 1]} : vector<4096x128xf32> to vector<1024x128xf32>
    %add3A_123 = arith.addf %dot_general3A_121, %slice3A_122 : vector<1024x128xf32>
    %max3A_124 = arith.constant 0.000000e+00 : f32
    %max3A_125 = vector.broadcast %max3A_124 : f32 to vector<1024x128xf32>
    %max3A_126 = arith.maximumf %add3A_123, %max3A_125 : vector<1024x128xf32>
    %slice3A_127 = vector.extract_strided_slice %get3A_65 {offsets = [1024, 0], sizes = [1024, 128], strides = [1, 1]} : vector<4096x128xf32> to vector<1024x128xf32>
    %slice3A_128 = vector.extract_strided_slice %get3A_88 {offsets = [0, 0], sizes = [128, 128], strides = [1, 1]} : vector<128x256xf32> to vector<128x128xf32>
    %convert_element_type3A_129 = arith.truncf %slice3A_127 : vector<1024x128xf32> to vector<1024x128xbf16>
    %convert_element_type3A_130 = arith.truncf %slice3A_128 : vector<128x128xf32> to vector<128x128xbf16>
    %dot_general3A_131 = arith.constant dense<0.000000e+00> : vector<1024x128xf32>
    %dot_general3A_132 = tpu.matmul %convert_element_type3A_129, %convert_element_type3A_130, %dot_general3A_131 {dimension_numbers = #tpu.dot_dimension_numbers<[1], [1], [0], [0], [0, 0, 1, 0], [], []>, transpose_lhs_hint = false} : vector<1024x128xbf16>, vector<128x128xbf16>, vector<1024x128xf32> -> vector<1024x128xf32>
    %slice3A_133 = vector.extract_strided_slice %dot_general3A_96 {offsets = [1024, 0], sizes = [1024, 128], strides = [1, 1]} : vector<4096x128xf32> to vector<1024x128xf32>
    %add3A_134 = arith.addf %dot_general3A_132, %slice3A_133 : vector<1024x128xf32>
    %max3A_135 = arith.constant 0.000000e+00 : f32
    %max3A_136 = vector.broadcast %max3A_135 : f32 to vector<1024x128xf32>
    %max3A_137 = arith.maximumf %add3A_134, %max3A_136 : vector<1024x128xf32>
    %slice3A_138 = vector.extract_strided_slice %get3A_65 {offsets = [2048, 0], sizes = [1024, 128], strides = [1, 1]} : vector<4096x128xf32> to vector<1024x128xf32>
    %slice3A_139 = vector.extract_strided_slice %get3A_88 {offsets = [0, 0], sizes = [128, 128], strides = [1, 1]} : vector<128x256xf32> to vector<128x128xf32>
    %convert_element_type3A_140 = arith.truncf %slice3A_138 : vector<1024x128xf32> to vector<1024x128xbf16>
    %convert_element_type3A_141 = arith.truncf %slice3A_139 : vector<128x128xf32> to vector<128x128xbf16>
    %dot_general3A_142 = arith.constant dense<0.000000e+00> : vector<1024x128xf32>
    %dot_general3A_143 = tpu.matmul %convert_element_type3A_140, %convert_element_type3A_141, %dot_general3A_142 {dimension_numbers = #tpu.dot_dimension_numbers<[1], [1], [0], [0], [0, 0, 1, 0], [], []>, transpose_lhs_hint = false} : vector<1024x128xbf16>, vector<128x128xbf16>, vector<1024x128xf32> -> vector<1024x128xf32>
    %slice3A_144 = vector.extract_strided_slice %dot_general3A_96 {offsets = [2048, 0], sizes = [1024, 128], strides = [1, 1]} : vector<4096x128xf32> to vector<1024x128xf32>
    %add3A_145 = arith.addf %dot_general3A_143, %slice3A_144 : vector<1024x128xf32>
    %max3A_146 = arith.constant 0.000000e+00 : f32
    %max3A_147 = vector.broadcast %max3A_146 : f32 to vector<1024x128xf32>
    %max3A_148 = arith.maximumf %add3A_145, %max3A_147 : vector<1024x128xf32>
    %slice3A_149 = vector.extract_strided_slice %get3A_65 {offsets = [3072, 0], sizes = [1024, 128], strides = [1, 1]} : vector<4096x128xf32> to vector<1024x128xf32>
    %slice3A_150 = vector.extract_strided_slice %get3A_88 {offsets = [0, 0], sizes = [128, 128], strides = [1, 1]} : vector<128x256xf32> to vector<128x128xf32>
    %convert_element_type3A_151 = arith.truncf %slice3A_149 : vector<1024x128xf32> to vector<1024x128xbf16>
    %convert_element_type3A_152 = arith.truncf %slice3A_150 : vector<128x128xf32> to vector<128x128xbf16>
    %dot_general3A_153 = arith.constant dense<0.000000e+00> : vector<1024x128xf32>
    %dot_general3A_154 = tpu.matmul %convert_element_type3A_151, %convert_element_type3A_152, %dot_general3A_153 {dimension_numbers = #tpu.dot_dimension_numbers<[1], [1], [0], [0], [0, 0, 1, 0], [], []>, transpose_lhs_hint = false} : vector<1024x128xbf16>, vector<128x128xbf16>, vector<1024x128xf32> -> vector<1024x128xf32>
    %slice3A_155 = vector.extract_strided_slice %dot_general3A_96 {offsets = [3072, 0], sizes = [1024, 128], strides = [1, 1]} : vector<4096x128xf32> to vector<1024x128xf32>
    %add3A_156 = arith.addf %dot_general3A_154, %slice3A_155 : vector<1024x128xf32>
    %max3A_157 = arith.constant 0.000000e+00 : f32
    %max3A_158 = vector.broadcast %max3A_157 : f32 to vector<1024x128xf32>
    %max3A_159 = arith.maximumf %add3A_156, %max3A_158 : vector<1024x128xf32>
    %convert_element_type3A_160 = arith.truncf %max3A_126 : vector<1024x128xf32> to vector<1024x128xbf16>
    %convert_element_type3A_161 = arith.truncf %get3A_104 : vector<128x128xf32> to vector<128x128xbf16>
    %dot_general3A_162 = arith.constant dense<0.000000e+00> : vector<1024x128xf32>
    %dot_general3A_163 = tpu.matmul %convert_element_type3A_160, %convert_element_type3A_161, %dot_general3A_162 {dimension_numbers = #tpu.dot_dimension_numbers<[1], [1], [0], [0], [0, 0, 1, 0], [], []>, transpose_lhs_hint = false} : vector<1024x128xbf16>, vector<128x128xbf16>, vector<1024x128xf32> -> vector<1024x128xf32>
    %add3A_164 = vector.broadcast %get3A_113 : vector<1x128xf32> to vector<1024x128xf32>
    %add3A_165 = arith.addf %dot_general3A_163, %add3A_164 : vector<1024x128xf32>
    %max3A_166 = arith.constant 0.000000e+00 : f32
    %max3A_167 = vector.broadcast %max3A_166 : f32 to vector<1024x128xf32>
    %max3A_168 = arith.maximumf %add3A_165, %max3A_167 : vector<1024x128xf32>
    %convert_element_type3A_169 = arith.truncf %max3A_137 : vector<1024x128xf32> to vector<1024x128xbf16>
    %convert_element_type3A_170 = arith.truncf %get3A_104 : vector<128x128xf32> to vector<128x128xbf16>
    %dot_general3A_171 = arith.constant dense<0.000000e+00> : vector<1024x128xf32>
    %dot_general3A_172 = tpu.matmul %convert_element_type3A_169, %convert_element_type3A_170, %dot_general3A_171 {dimension_numbers = #tpu.dot_dimension_numbers<[1], [1], [0], [0], [0, 0, 1, 0], [], []>, transpose_lhs_hint = false} : vector<1024x128xbf16>, vector<128x128xbf16>, vector<1024x128xf32> -> vector<1024x128xf32>
    %add3A_173 = vector.broadcast %get3A_113 : vector<1x128xf32> to vector<1024x128xf32>
    %add3A_174 = arith.addf %dot_general3A_172, %add3A_173 : vector<1024x128xf32>
    %max3A_175 = arith.constant 0.000000e+00 : f32
    %max3A_176 = vector.broadcast %max3A_175 : f32 to vector<1024x128xf32>
    %max3A_177 = arith.maximumf %add3A_174, %max3A_176 : vector<1024x128xf32>
    %convert_element_type3A_178 = arith.truncf %max3A_148 : vector<1024x128xf32> to vector<1024x128xbf16>
    %convert_element_type3A_179 = arith.truncf %get3A_104 : vector<128x128xf32> to vector<128x128xbf16>
    %dot_general3A_180 = arith.constant dense<0.000000e+00> : vector<1024x128xf32>
    %dot_general3A_181 = tpu.matmul %convert_element_type3A_178, %convert_element_type3A_179, %dot_general3A_180 {dimension_numbers = #tpu.dot_dimension_numbers<[1], [1], [0], [0], [0, 0, 1, 0], [], []>, transpose_lhs_hint = false} : vector<1024x128xbf16>, vector<128x128xbf16>, vector<1024x128xf32> -> vector<1024x128xf32>
    %add3A_182 = vector.broadcast %get3A_113 : vector<1x128xf32> to vector<1024x128xf32>
    %add3A_183 = arith.addf %dot_general3A_181, %add3A_182 : vector<1024x128xf32>
    %max3A_184 = arith.constant 0.000000e+00 : f32
    %max3A_185 = vector.broadcast %max3A_184 : f32 to vector<1024x128xf32>
    %max3A_186 = arith.maximumf %add3A_183, %max3A_185 : vector<1024x128xf32>
    %convert_element_type3A_187 = arith.truncf %max3A_159 : vector<1024x128xf32> to vector<1024x128xbf16>
    %convert_element_type3A_188 = arith.truncf %get3A_104 : vector<128x128xf32> to vector<128x128xbf16>
    %dot_general3A_189 = arith.constant dense<0.000000e+00> : vector<1024x128xf32>
    %dot_general3A_190 = tpu.matmul %convert_element_type3A_187, %convert_element_type3A_188, %dot_general3A_189 {dimension_numbers = #tpu.dot_dimension_numbers<[1], [1], [0], [0], [0, 0, 1, 0], [], []>, transpose_lhs_hint = false} : vector<1024x128xbf16>, vector<128x128xbf16>, vector<1024x128xf32> -> vector<1024x128xf32>
    %add3A_191 = vector.broadcast %get3A_113 : vector<1x128xf32> to vector<1024x128xf32>
    %add3A_192 = arith.addf %dot_general3A_190, %add3A_191 : vector<1024x128xf32>
    %max3A_193 = arith.constant 0.000000e+00 : f32
    %max3A_194 = vector.broadcast %max3A_193 : f32 to vector<1024x128xf32>
    %max3A_195 = arith.maximumf %add3A_192, %max3A_194 : vector<1024x128xf32>
    %slice3A_196 = vector.extract_strided_slice %get3A_91 {offsets = [0, 0], sizes = [128, 128], strides = [1, 1]} : vector<128x256xf32> to vector<128x128xf32>
    %convert_element_type3A_197 = arith.truncf %max3A_168 : vector<1024x128xf32> to vector<1024x128xbf16>
    %convert_element_type3A_198 = arith.truncf %slice3A_196 : vector<128x128xf32> to vector<128x128xbf16>
    %dot_general3A_199 = arith.constant dense<0.000000e+00> : vector<1024x128xf32>
    %dot_general3A_200 = tpu.matmul %convert_element_type3A_197, %convert_element_type3A_198, %dot_general3A_199 {dimension_numbers = #tpu.dot_dimension_numbers<[1], [1], [0], [0], [0, 0, 1, 0], [], []>, transpose_lhs_hint = false} : vector<1024x128xbf16>, vector<128x128xbf16>, vector<1024x128xf32> -> vector<1024x128xf32>
    %slice3A_201 = vector.extract_strided_slice %dot_general3A_101 {offsets = [0, 0], sizes = [1024, 128], strides = [1, 1]} : vector<4096x128xf32> to vector<1024x128xf32>
    %add3A_202 = arith.addf %dot_general3A_200, %slice3A_201 : vector<1024x128xf32>
    %max3A_203 = arith.constant 0.000000e+00 : f32
    %max3A_204 = vector.broadcast %max3A_203 : f32 to vector<1024x128xf32>
    %max3A_205 = arith.maximumf %add3A_202, %max3A_204 : vector<1024x128xf32>
    %slice3A_206 = vector.extract_strided_slice %get3A_91 {offsets = [0, 0], sizes = [128, 128], strides = [1, 1]} : vector<128x256xf32> to vector<128x128xf32>
    %convert_element_type3A_207 = arith.truncf %max3A_177 : vector<1024x128xf32> to vector<1024x128xbf16>
    %convert_element_type3A_208 = arith.truncf %slice3A_206 : vector<128x128xf32> to vector<128x128xbf16>
    %dot_general3A_209 = arith.constant dense<0.000000e+00> : vector<1024x128xf32>
    %dot_general3A_210 = tpu.matmul %convert_element_type3A_207, %convert_element_type3A_208, %dot_general3A_209 {dimension_numbers = #tpu.dot_dimension_numbers<[1], [1], [0], [0], [0, 0, 1, 0], [], []>, transpose_lhs_hint = false} : vector<1024x128xbf16>, vector<128x128xbf16>, vector<1024x128xf32> -> vector<1024x128xf32>
    %slice3A_211 = vector.extract_strided_slice %dot_general3A_101 {offsets = [1024, 0], sizes = [1024, 128], strides = [1, 1]} : vector<4096x128xf32> to vector<1024x128xf32>
    %add3A_212 = arith.addf %dot_general3A_210, %slice3A_211 : vector<1024x128xf32>
    %max3A_213 = arith.constant 0.000000e+00 : f32
    %max3A_214 = vector.broadcast %max3A_213 : f32 to vector<1024x128xf32>
    %max3A_215 = arith.maximumf %add3A_212, %max3A_214 : vector<1024x128xf32>
    %slice3A_216 = vector.extract_strided_slice %get3A_91 {offsets = [0, 0], sizes = [128, 128], strides = [1, 1]} : vector<128x256xf32> to vector<128x128xf32>
    %convert_element_type3A_217 = arith.truncf %max3A_186 : vector<1024x128xf32> to vector<1024x128xbf16>
    %convert_element_type3A_218 = arith.truncf %slice3A_216 : vector<128x128xf32> to vector<128x128xbf16>
    %dot_general3A_219 = arith.constant dense<0.000000e+00> : vector<1024x128xf32>
    %dot_general3A_220 = tpu.matmul %convert_element_type3A_217, %convert_element_type3A_218, %dot_general3A_219 {dimension_numbers = #tpu.dot_dimension_numbers<[1], [1], [0], [0], [0, 0, 1, 0], [], []>, transpose_lhs_hint = false} : vector<1024x128xbf16>, vector<128x128xbf16>, vector<1024x128xf32> -> vector<1024x128xf32>
    %slice3A_221 = vector.extract_strided_slice %dot_general3A_101 {offsets = [2048, 0], sizes = [1024, 128], strides = [1, 1]} : vector<4096x128xf32> to vector<1024x128xf32>
    %add3A_222 = arith.addf %dot_general3A_220, %slice3A_221 : vector<1024x128xf32>
    %max3A_223 = arith.constant 0.000000e+00 : f32
    %max3A_224 = vector.broadcast %max3A_223 : f32 to vector<1024x128xf32>
    %max3A_225 = arith.maximumf %add3A_222, %max3A_224 : vector<1024x128xf32>
    %slice3A_226 = vector.extract_strided_slice %get3A_91 {offsets = [0, 0], sizes = [128, 128], strides = [1, 1]} : vector<128x256xf32> to vector<128x128xf32>
    %convert_element_type3A_227 = arith.truncf %max3A_195 : vector<1024x128xf32> to vector<1024x128xbf16>
    %convert_element_type3A_228 = arith.truncf %slice3A_226 : vector<128x128xf32> to vector<128x128xbf16>
    %dot_general3A_229 = arith.constant dense<0.000000e+00> : vector<1024x128xf32>
    %dot_general3A_230 = tpu.matmul %convert_element_type3A_227, %convert_element_type3A_228, %dot_general3A_229 {dimension_numbers = #tpu.dot_dimension_numbers<[1], [1], [0], [0], [0, 0, 1, 0], [], []>, transpose_lhs_hint = false} : vector<1024x128xbf16>, vector<128x128xbf16>, vector<1024x128xf32> -> vector<1024x128xf32>
    %slice3A_231 = vector.extract_strided_slice %dot_general3A_101 {offsets = [3072, 0], sizes = [1024, 128], strides = [1, 1]} : vector<4096x128xf32> to vector<1024x128xf32>
    %add3A_232 = arith.addf %dot_general3A_230, %slice3A_231 : vector<1024x128xf32>
    %max3A_233 = arith.constant 0.000000e+00 : f32
    %max3A_234 = vector.broadcast %max3A_233 : f32 to vector<1024x128xf32>
    %max3A_235 = arith.maximumf %add3A_232, %max3A_234 : vector<1024x128xf32>
    %convert_element_type3A_236 = arith.truncf %max3A_205 : vector<1024x128xf32> to vector<1024x128xbf16>
    %convert_element_type3A_237 = arith.truncf %get3A_107 : vector<128x128xf32> to vector<128x128xbf16>
    %dot_general3A_238 = arith.constant dense<0.000000e+00> : vector<1024x128xf32>
    %dot_general3A_239 = tpu.matmul %convert_element_type3A_236, %convert_element_type3A_237, %dot_general3A_238 {dimension_numbers = #tpu.dot_dimension_numbers<[1], [1], [0], [0], [0, 0, 1, 0], [], []>, transpose_lhs_hint = false} : vector<1024x128xbf16>, vector<128x128xbf16>, vector<1024x128xf32> -> vector<1024x128xf32>
    %add3A_240 = vector.broadcast %get3A_116 : vector<1x128xf32> to vector<1024x128xf32>
    %add3A_241 = arith.addf %dot_general3A_239, %add3A_240 : vector<1024x128xf32>
    %max3A_242 = arith.constant 0.000000e+00 : f32
    %max3A_243 = vector.broadcast %max3A_242 : f32 to vector<1024x128xf32>
    %max3A_244 = arith.maximumf %add3A_241, %max3A_243 : vector<1024x128xf32>
    %convert_element_type3A_245 = arith.truncf %max3A_215 : vector<1024x128xf32> to vector<1024x128xbf16>
    %convert_element_type3A_246 = arith.truncf %get3A_107 : vector<128x128xf32> to vector<128x128xbf16>
    %dot_general3A_247 = arith.constant dense<0.000000e+00> : vector<1024x128xf32>
    %dot_general3A_248 = tpu.matmul %convert_element_type3A_245, %convert_element_type3A_246, %dot_general3A_247 {dimension_numbers = #tpu.dot_dimension_numbers<[1], [1], [0], [0], [0, 0, 1, 0], [], []>, transpose_lhs_hint = false} : vector<1024x128xbf16>, vector<128x128xbf16>, vector<1024x128xf32> -> vector<1024x128xf32>
    %add3A_249 = vector.broadcast %get3A_116 : vector<1x128xf32> to vector<1024x128xf32>
    %add3A_250 = arith.addf %dot_general3A_248, %add3A_249 : vector<1024x128xf32>
    %max3A_251 = arith.constant 0.000000e+00 : f32
    %max3A_252 = vector.broadcast %max3A_251 : f32 to vector<1024x128xf32>
    %max3A_253 = arith.maximumf %add3A_250, %max3A_252 : vector<1024x128xf32>
    %convert_element_type3A_254 = arith.truncf %max3A_225 : vector<1024x128xf32> to vector<1024x128xbf16>
    %convert_element_type3A_255 = arith.truncf %get3A_107 : vector<128x128xf32> to vector<128x128xbf16>
    %dot_general3A_256 = arith.constant dense<0.000000e+00> : vector<1024x128xf32>
    %dot_general3A_257 = tpu.matmul %convert_element_type3A_254, %convert_element_type3A_255, %dot_general3A_256 {dimension_numbers = #tpu.dot_dimension_numbers<[1], [1], [0], [0], [0, 0, 1, 0], [], []>, transpose_lhs_hint = false} : vector<1024x128xbf16>, vector<128x128xbf16>, vector<1024x128xf32> -> vector<1024x128xf32>
    %add3A_258 = vector.broadcast %get3A_116 : vector<1x128xf32> to vector<1024x128xf32>
    %add3A_259 = arith.addf %dot_general3A_257, %add3A_258 : vector<1024x128xf32>
    %max3A_260 = arith.constant 0.000000e+00 : f32
    %max3A_261 = vector.broadcast %max3A_260 : f32 to vector<1024x128xf32>
    %max3A_262 = arith.maximumf %add3A_259, %max3A_261 : vector<1024x128xf32>
    %convert_element_type3A_263 = arith.truncf %max3A_235 : vector<1024x128xf32> to vector<1024x128xbf16>
    %convert_element_type3A_264 = arith.truncf %get3A_107 : vector<128x128xf32> to vector<128x128xbf16>
    %dot_general3A_265 = arith.constant dense<0.000000e+00> : vector<1024x128xf32>
    %dot_general3A_266 = tpu.matmul %convert_element_type3A_263, %convert_element_type3A_264, %dot_general3A_265 {dimension_numbers = #tpu.dot_dimension_numbers<[1], [1], [0], [0], [0, 0, 1, 0], [], []>, transpose_lhs_hint = false} : vector<1024x128xbf16>, vector<128x128xbf16>, vector<1024x128xf32> -> vector<1024x128xf32>
    %add3A_267 = vector.broadcast %get3A_116 : vector<1x128xf32> to vector<1024x128xf32>
    %add3A_268 = arith.addf %dot_general3A_266, %add3A_267 : vector<1024x128xf32>
    %max3A_269 = arith.constant 0.000000e+00 : f32
    %max3A_270 = vector.broadcast %max3A_269 : f32 to vector<1024x128xf32>
    %max3A_271 = arith.maximumf %add3A_268, %max3A_270 : vector<1024x128xf32>
    %convert_element_type3A_272 = arith.truncf %get3A_110 : vector<1x128xf32> to vector<1x128xbf16>
    %convert_element_type3A_273 = arith.truncf %max3A_244 : vector<1024x128xf32> to vector<1024x128xbf16>
    %dot_general3A_274 = arith.constant dense<0.000000e+00> : vector<1x1024xf32>
    %dot_general3A_275 = tpu.matmul %convert_element_type3A_272, %convert_element_type3A_273, %dot_general3A_274 {dimension_numbers = #tpu.dot_dimension_numbers<[1], [1], [0], [0], [0, 0, 1, 0], [], []>, transpose_lhs_hint = false} : vector<1x128xbf16>, vector<1024x128xbf16>, vector<1x1024xf32> -> vector<1x1024xf32>
    %convert_element_type3A_276 = arith.truncf %get3A_110 : vector<1x128xf32> to vector<1x128xbf16>
    %convert_element_type3A_277 = arith.truncf %max3A_253 : vector<1024x128xf32> to vector<1024x128xbf16>
    %dot_general3A_278 = arith.constant dense<0.000000e+00> : vector<1x1024xf32>
    %dot_general3A_279 = tpu.matmul %convert_element_type3A_276, %convert_element_type3A_277, %dot_general3A_278 {dimension_numbers = #tpu.dot_dimension_numbers<[1], [1], [0], [0], [0, 0, 1, 0], [], []>, transpose_lhs_hint = false} : vector<1x128xbf16>, vector<1024x128xbf16>, vector<1x1024xf32> -> vector<1x1024xf32>
    %convert_element_type3A_280 = arith.truncf %get3A_110 : vector<1x128xf32> to vector<1x128xbf16>
    %convert_element_type3A_281 = arith.truncf %max3A_262 : vector<1024x128xf32> to vector<1024x128xbf16>
    %dot_general3A_282 = arith.constant dense<0.000000e+00> : vector<1x1024xf32>
    %dot_general3A_283 = tpu.matmul %convert_element_type3A_280, %convert_element_type3A_281, %dot_general3A_282 {dimension_numbers = #tpu.dot_dimension_numbers<[1], [1], [0], [0], [0, 0, 1, 0], [], []>, transpose_lhs_hint = false} : vector<1x128xbf16>, vector<1024x128xbf16>, vector<1x1024xf32> -> vector<1x1024xf32>
    %convert_element_type3A_284 = arith.truncf %get3A_110 : vector<1x128xf32> to vector<1x128xbf16>
    %convert_element_type3A_285 = arith.truncf %max3A_271 : vector<1024x128xf32> to vector<1024x128xbf16>
    %dot_general3A_286 = arith.constant dense<0.000000e+00> : vector<1x1024xf32>
    %dot_general3A_287 = tpu.matmul %convert_element_type3A_284, %convert_element_type3A_285, %dot_general3A_286 {dimension_numbers = #tpu.dot_dimension_numbers<[1], [1], [0], [0], [0, 0, 1, 0], [], []>, transpose_lhs_hint = false} : vector<1x128xbf16>, vector<1024x128xbf16>, vector<1x1024xf32> -> vector<1x1024xf32>
    %concatenate3A = tpu.concatenate %dot_general3A_275, %dot_general3A_279, %dot_general3A_283, %dot_general3A_287 in 1 : vector<1x1024xf32>, vector<1x1024xf32>, vector<1x1024xf32>, vector<1x1024xf32> -> vector<1x4096xf32>
    %get3A_288 = arith.constant 0 : index
    %get3A_289 = arith.constant 0 : index
    %get3A_290 = vector.load %arg16[%get3A_288, %get3A_289] : memref<1x1xf32, #tpu.memory_space<vmem>>, vector<1x1xf32>
    %get3A_291 = vector.extract %get3A_290[0, 0] : f32 from vector<1x1xf32>
    %add3A_292 = vector.broadcast %get3A_291 : f32 to vector<1x4096xf32>
    %add3A_293 = arith.addf %concatenate3A, %add3A_292 : vector<1x4096xf32>
    %swap3A_294 = arith.constant 0 : index
    %swap3A_295 = arith.constant 0 : index
    %swap3A_296 = vector.load %arg26[%swap3A_294, %swap3A_295] : memref<1x4096xf32, #tpu.memory_space<vmem>>, vector<1x4096xf32>
    tpu.vector_store %arg26[%swap3A_294, %swap3A_295], %add3A_293 {strides = array<i32>} : memref<1x4096xf32, #tpu.memory_space<vmem>>, vector<1x4096xf32>,
    %concatenate3A_297 = tpu.concatenate %max3A_168, %max3A_177, %max3A_186, %max3A_195 in 0 : vector<1024x128xf32>, vector<1024x128xf32>, vector<1024x128xf32>, vector<1024x128xf32> -> vector<4096x128xf32>
    %swap3A_298 = arith.constant 0 : index
    %swap3A_299 = arith.constant 0 : index
    %swap3A_300 = vector.load %arg27[%swap3A_298, %swap3A_299] : memref<4096x128xf32, #tpu.memory_space<vmem>>, vector<4096x128xf32>
    tpu.vector_store %arg27[%swap3A_298, %swap3A_299], %concatenate3A_297 {strides = array<i32>} : memref<4096x128xf32, #tpu.memory_space<vmem>>, vector<4096x128xf32>,
    %eq3A_301 = arith.constant 1 : i32
    %eq3A_302 = arith.cmpi eq, %arg0, %eq3A_301 : i32
    %convert_element_type3A_303 = arith.extui %eq3A_302 : i1 to i32
    %cond3A_304 = arith.constant 0 : i32
    %cond3A_305 = arith.cmpi ne, %convert_element_type3A_303, %cond3A_304 : i32
    scf.if %cond3A_305 {
      %get3A_306 = arith.constant 0 : index
      %get3A_307 = arith.constant 0 : index
      %get3A_308 = arith.constant 0 : index
      %get3A_309 = vector.load %arg3[%get3A_306, %get3A_307, %get3A_308] : memref<1x1x4096xi32, #tpu.memory_space<vmem>>, vector<1x1x4096xi32>
      %reshape3A_310 = vector.shape_cast %get3A_309 : vector<1x1x4096xi32> to vector<1x4096xi32>
      %iota3A_311 = tpu.iota {dimensions = array<i32: 0>} : vector<16x4096xi32>
      %eq3A_312 = vector.broadcast %reshape3A_310 : vector<1x4096xi32> to vector<16x4096xi32>
      %eq3A_313 = arith.cmpi eq, %eq3A_312, %iota3A_311 : vector<16x4096xi32>
      %convert_element_type3A_314 = arith.extui %eq3A_313 : vector<16x4096xi1> to vector<16x4096xi32>
      %convert_element_type3A_315 = arith.sitofp %convert_element_type3A_314 : vector<16x4096xi32> to vector<16x4096xf32>
      %get3A_316 = arith.constant 0 : index
      %get3A_317 = arith.constant 0 : index
      %get3A_318 = vector.load %arg26[%get3A_316, %get3A_317] : memref<1x4096xf32, #tpu.memory_space<vmem>>, vector<1x4096xf32>
      %gt3A_319 = arith.constant 0.000000e+00 : f32
      %gt3A_320 = vector.broadcast %gt3A_319 : f32 to vector<16x4096xf32>
      %gt3A_321 = arith.cmpf ogt, %convert_element_type3A_315, %gt3A_320 : vector<16x4096xf32>
      %jit3A_322 = arith.constant -1.000000e+30 : f32
      %broadcast_in_dim3A_323 = vector.shape_cast %get3A_318 : vector<1x4096xf32> to vector<1x4096xf32>
      %broadcast_in_dim3A_324 = vector.broadcast %broadcast_in_dim3A_323 : vector<1x4096xf32> to vector<16x4096xf32>
      %broadcast_in_dim3A_325 = vector.broadcast %jit3A_322 : f32 to vector<16x4096xf32>
      %select_n3A_326 = arith.select %gt3A_321, %broadcast_in_dim3A_324, %broadcast_in_dim3A_325 : vector<16x4096xi1>, vector<16x4096xf32>
      %get3A_327 = arith.constant 0 : index
      %get3A_328 = arith.constant 0 : index
      %get3A_329 = vector.load %arg21[%get3A_327, %get3A_328] : memref<16x1xf32, #tpu.memory_space<vmem>>, vector<16x1xf32>
      %reduce_max3A_330 = arith.constant dense<0xFF800000> : vector<16xf32>
      %reduce_max3A_331 = vector.multi_reduction <maximumf>, %select_n3A_326, %reduce_max3A_330 [1] : vector<16x4096xf32> to vector<16xf32>
      %broadcast_in_dim3A_332 = vector.shape_cast %reduce_max3A_331 : vector<16xf32> to vector<16x1xf32>
      %max3A_333 = arith.maximumf %get3A_329, %broadcast_in_dim3A_332 : vector<16x1xf32>
      %max3A_334 = arith.constant -1.000000e+20 : f32
      %max3A_335 = vector.broadcast %max3A_334 : f32 to vector<16x1xf32>
      %max3A_336 = arith.maximumf %max3A_333, %max3A_335 : vector<16x1xf32>
      %sub3A_337 = arith.subf %get3A_329, %max3A_336 : vector<16x1xf32>
      %exp3A_338 = math.exp %sub3A_337 : vector<16x1xf32>
      %dot_general3A_339 = arith.constant dense<0.000000e+00> : vector<1x4096xf32>
      %dot_general3A_340 = tpu.matmul %max3A_336, %convert_element_type3A_315, %dot_general3A_339 {dimension_numbers = #tpu.dot_dimension_numbers<[0], [0], [1], [1], [0, 1, 1, 1], [], []>, transpose_lhs_hint = false} : vector<16x1xf32>, vector<16x4096xf32>, vector<1x4096xf32> -> vector<1x4096xf32>
      %sub3A_341 = arith.subf %get3A_318, %dot_general3A_340 : vector<1x4096xf32>
      %exp3A_342 = math.exp %sub3A_341 : vector<1x4096xf32>
      %mul3A_343 = vector.broadcast %exp3A_342 : vector<1x4096xf32> to vector<16x4096xf32>
      %mul3A_344 = arith.mulf %convert_element_type3A_315, %mul3A_343 : vector<16x4096xf32>
      %dot_general3A_345 = arith.constant dense<0.000000e+00> : vector<16x1xf32>
      %dot_general3A_346 = tpu.matmul %convert_element_type3A_315, %exp3A_342, %dot_general3A_345 {dimension_numbers = #tpu.dot_dimension_numbers<[1], [1], [0], [0], [0, 0, 1, 0], [], []>, transpose_lhs_hint = false} : vector<16x4096xf32>, vector<1x4096xf32>, vector<16x1xf32> -> vector<16x1xf32>
      %get3A_347 = arith.constant 0 : index
      %get3A_348 = arith.constant 0 : index
      %get3A_349 = vector.load %arg22[%get3A_347, %get3A_348] : memref<16x1xf32, #tpu.memory_space<vmem>>, vector<16x1xf32>
      %mul3A_350 = arith.mulf %get3A_349, %exp3A_338 : vector<16x1xf32>
      %add3A_351 = arith.addf %mul3A_350, %dot_general3A_346 : vector<16x1xf32>
      %swap3A_352 = arith.constant 0 : index
      %swap3A_353 = arith.constant 0 : index
      %swap3A_354 = vector.load %arg22[%swap3A_352, %swap3A_353] : memref<16x1xf32, #tpu.memory_space<vmem>>, vector<16x1xf32>
      tpu.vector_store %arg22[%swap3A_352, %swap3A_353], %add3A_351 {strides = array<i32>} : memref<16x1xf32, #tpu.memory_space<vmem>>, vector<16x1xf32>,
      %swap3A_355 = arith.constant 0 : index
      %swap3A_356 = arith.constant 0 : index
      %swap3A_357 = vector.load %arg21[%swap3A_355, %swap3A_356] : memref<16x1xf32, #tpu.memory_space<vmem>>, vector<16x1xf32>
      tpu.vector_store %arg21[%swap3A_355, %swap3A_356], %max3A_333 {strides = array<i32>} : memref<16x1xf32, #tpu.memory_space<vmem>>, vector<16x1xf32>,
      %iota3A_358 = tpu.iota {dimensions = array<i32: 0>} : vector<16x16xi32>
      %iota3A_359 = tpu.iota {dimensions = array<i32: 1>} : vector<16x16xi32>
      %eq3A_360 = arith.cmpi eq, %iota3A_358, %iota3A_359 : vector<16x16xi32>
      %broadcast_in_dim3A_361 = arith.constant 1.000000e+00 : f32
      %broadcast_in_dim3A_362 = vector.broadcast %broadcast_in_dim3A_361 : f32 to vector<1x16xf32>
      %dot_general3A_363 = arith.constant dense<0.000000e+00> : vector<16x16xf32>
      %dot_general3A_364 = tpu.matmul %exp3A_338, %broadcast_in_dim3A_362, %dot_general3A_363 {dimension_numbers = #tpu.dot_dimension_numbers<[1], [0], [0], [1], [0, 0, 1, 1], [], []>, transpose_lhs_hint = false} : vector<16x1xf32>, vector<1x16xf32>, vector<16x16xf32> -> vector<16x16xf32>
      %jit3A_365 = arith.constant 0.000000e+00 : f32
      %broadcast_in_dim3A_366 = vector.broadcast %jit3A_365 : f32 to vector<16x16xf32>
      %select_n3A_367 = arith.select %eq3A_360, %dot_general3A_364, %broadcast_in_dim3A_366 : vector<16x16xi1>, vector<16x16xf32>
      %get3A_368 = arith.constant 0 : index
      %get3A_369 = arith.constant 0 : index
      %get3A_370 = vector.load %arg23[%get3A_368, %get3A_369] : memref<16x128xf32, #tpu.memory_space<vmem>>, vector<16x128xf32>
      %dot_general3A_371 = arith.constant dense<0.000000e+00> : vector<16x128xf32>
      %dot_general3A_372 = tpu.matmul %select_n3A_367, %get3A_370, %dot_general3A_371 {dimension_numbers = #tpu.dot_dimension_numbers<[1], [0], [0], [1], [0, 0, 1, 1], [], []>, transpose_lhs_hint = false} : vector<16x16xf32>, vector<16x128xf32>, vector<16x128xf32> -> vector<16x128xf32>
      %get3A_373 = arith.constant 0 : index
      %get3A_374 = arith.constant 0 : index
      %get3A_375 = vector.load %arg27[%get3A_373, %get3A_374] : memref<4096x128xf32, #tpu.memory_space<vmem>>, vector<4096x128xf32>
      %dot_general3A_376 = arith.constant dense<0.000000e+00> : vector<16x128xf32>
      %dot_general3A_377 = tpu.matmul %mul3A_344, %get3A_375, %dot_general3A_376 {dimension_numbers = #tpu.dot_dimension_numbers<[1], [0], [0], [1], [0, 0, 1, 1], [], []>, transpose_lhs_hint = false} : vector<16x4096xf32>, vector<4096x128xf32>, vector<16x128xf32> -> vector<16x128xf32>
      %add3A_378 = arith.addf %dot_general3A_372, %dot_general3A_377 : vector<16x128xf32>
      %swap3A_379 = arith.constant 0 : index
      %swap3A_380 = arith.constant 0 : index
      %swap3A_381 = vector.load %arg23[%swap3A_379, %swap3A_380] : memref<16x128xf32, #tpu.memory_space<vmem>>, vector<16x128xf32>
      tpu.vector_store %arg23[%swap3A_379, %swap3A_380], %add3A_378 {strides = array<i32>} : memref<16x128xf32, #tpu.memory_space<vmem>>, vector<16x128xf32>,
      %get3A_382 = arith.constant 0 : index
      %get3A_383 = arith.constant 0 : index
      %get3A_384 = vector.load %arg21[%get3A_382, %get3A_383] : memref<16x1xf32, #tpu.memory_space<vmem>>, vector<16x1xf32>
      %swap3A_385 = arith.constant 0 : index
      %swap3A_386 = arith.constant 0 : index
      %swap3A_387 = vector.load %arg17[%swap3A_385, %swap3A_386] : memref<16x1xf32, #tpu.memory_space<vmem>>, vector<16x1xf32>
      tpu.vector_store %arg17[%swap3A_385, %swap3A_386], %get3A_384 {strides = array<i32>} : memref<16x1xf32, #tpu.memory_space<vmem>>, vector<16x1xf32>,
      %get3A_388 = arith.constant 0 : index
      %get3A_389 = arith.constant 0 : index
      %get3A_390 = vector.load %arg22[%get3A_388, %get3A_389] : memref<16x1xf32, #tpu.memory_space<vmem>>, vector<16x1xf32>
      %swap3A_391 = arith.constant 0 : index
      %swap3A_392 = arith.constant 0 : index
      %swap3A_393 = vector.load %arg18[%swap3A_391, %swap3A_392] : memref<16x1xf32, #tpu.memory_space<vmem>>, vector<16x1xf32>
      tpu.vector_store %arg18[%swap3A_391, %swap3A_392], %get3A_390 {strides = array<i32>} : memref<16x1xf32, #tpu.memory_space<vmem>>, vector<16x1xf32>,
      %get3A_394 = arith.constant 0 : index
      %get3A_395 = arith.constant 0 : index
      %get3A_396 = vector.load %arg23[%get3A_394, %get3A_395] : memref<16x128xf32, #tpu.memory_space<vmem>>, vector<16x128xf32>
      %swap3A_397 = arith.constant 0 : index
      %swap3A_398 = arith.constant 0 : index
      %swap3A_399 = vector.load %arg19[%swap3A_397, %swap3A_398] : memref<16x128xf32, #tpu.memory_space<vmem>>, vector<16x128xf32>
      tpu.vector_store %arg19[%swap3A_397, %swap3A_398], %get3A_396 {strides = array<i32>} : memref<16x128xf32, #tpu.memory_space<vmem>>, vector<16x128xf32>,
      %get3A_400 = arith.constant 0 : index
      %get3A_401 = arith.constant 0 : index
      %get3A_402 = vector.load %arg25[%get3A_400, %get3A_401] : memref<16x128xf32, #tpu.memory_space<vmem>>, vector<16x128xf32>
      %swap3A_403 = arith.constant 0 : index
      %swap3A_404 = arith.constant 0 : index
      %swap3A_405 = vector.load %arg20[%swap3A_403, %swap3A_404] : memref<16x128xf32, #tpu.memory_space<vmem>>, vector<16x128xf32>
      tpu.vector_store %arg20[%swap3A_403, %swap3A_404], %get3A_402 {strides = array<i32>} : memref<16x128xf32, #tpu.memory_space<vmem>>, vector<16x128xf32>,
    } else {
    }
    return
  }
  func.func @transform_0(%arg0: i32) -> (i32, i32) {
    %c0_i32 = arith.constant 0 : i32
    %c0_i32_0 = arith.constant 0 : i32
    return %arg0, %c0_i32 : i32, i32
  }
  func.func @transform_1(%arg0: i32) -> (i32, i32) {
    %c0_i32 = arith.constant 0 : i32
    %c0_i32_0 = arith.constant 0 : i32
    %c0_i32_1 = arith.constant 0 : i32
    return %c0_i32, %c0_i32_0 : i32, i32
  }
  func.func @transform_2(%arg0: i32) -> (i32, i32, i32) {
    %c0_i32 = arith.constant 0 : i32
    %c0_i32_0 = arith.constant 0 : i32
    %c0_i32_1 = arith.constant 0 : i32
    return %arg0, %c0_i32, %c0_i32_0 : i32, i32, i32
  }
  func.func @transform_3(%arg0: i32) -> (i32, i32, i32) {
    %c0_i32 = arith.constant 0 : i32
    %c0_i32_0 = arith.constant 0 : i32
    %c0_i32_1 = arith.constant 0 : i32
    return %arg0, %c0_i32, %c0_i32_0 : i32, i32, i32
  }
  func.func @transform_4(%arg0: i32) -> (i32, i32, i32) {
    %sub3A = arith.constant 1 : i32
    %sub3A_0 = arith.subi %arg0, %sub3A : i32
    %max3A = arith.constant 0 : i32
    %max3A_1 = arith.maxsi %sub3A_0, %max3A : i32
    %c0_i32 = arith.constant 0 : i32
    %c0_i32_2 = arith.constant 0 : i32
    %c0_i32_3 = arith.constant 0 : i32
    return %max3A_1, %c0_i32, %c0_i32_2 : i32, i32, i32
  }
  func.func @transform_5(%arg0: i32) -> (i32, i32) {
    %c0_i32 = arith.constant 0 : i32
    %c0_i32_0 = arith.constant 0 : i32
    %c0_i32_1 = arith.constant 0 : i32
    return %c0_i32, %c0_i32_0 : i32, i32
  }
  func.func @transform_6(%arg0: i32) -> (i32, i32) {
    %c0_i32 = arith.constant 0 : i32
    %c0_i32_0 = arith.constant 0 : i32
    %c0_i32_1 = arith.constant 0 : i32
    return %c0_i32, %c0_i32_0 : i32, i32
  }
  func.func @transform_7(%arg0: i32) -> (i32, i32) {
    %c0_i32 = arith.constant 0 : i32
    %c0_i32_0 = arith.constant 0 : i32
    %c0_i32_1 = arith.constant 0 : i32
    return %c0_i32, %c0_i32_0 : i32, i32
  }
  func.func @transform_8(%arg0: i32) -> (i32, i32) {
    %c0_i32 = arith.constant 0 : i32
    %c0_i32_0 = arith.constant 0 : i32
    %c0_i32_1 = arith.constant 0 : i32
    return %c0_i32, %c0_i32_0 : i32, i32
  }
  func.func @transform_9(%arg0: i32) -> (i32, i32) {
    %c0_i32 = arith.constant 0 : i32
    %c0_i32_0 = arith.constant 0 : i32
    %c0_i32_1 = arith.constant 0 : i32
    return %c0_i32, %c0_i32_0 : i32, i32
  }
  func.func @transform_10(%arg0: i32) -> (i32, i32) {
    %c0_i32 = arith.constant 0 : i32
    %c0_i32_0 = arith.constant 0 : i32
    %c0_i32_1 = arith.constant 0 : i32
    return %c0_i32, %c0_i32_0 : i32, i32
  }
  func.func @transform_11(%arg0: i32) -> (i32, i32) {
    %c0_i32 = arith.constant 0 : i32
    %c0_i32_0 = arith.constant 0 : i32
    %c0_i32_1 = arith.constant 0 : i32
    return %c0_i32, %c0_i32_0 : i32, i32
  }
  func.func @transform_12(%arg0: i32) -> (i32, i32) {
    %c0_i32 = arith.constant 0 : i32
    %c0_i32_0 = arith.constant 0 : i32
    %c0_i32_1 = arith.constant 0 : i32
    return %c0_i32, %c0_i32_0 : i32, i32
  }
  func.func @transform_13(%arg0: i32) -> (i32, i32) {
    %c0_i32 = arith.constant 0 : i32
    %c0_i32_0 = arith.constant 0 : i32
    %c0_i32_1 = arith.constant 0 : i32
    return %c0_i32, %c0_i32_0 : i32, i32
  }
  func.func @transform_14(%arg0: i32) -> (i32, i32) {
    %c0_i32 = arith.constant 0 : i32
    %c0_i32_0 = arith.constant 0 : i32
    %c0_i32_1 = arith.constant 0 : i32
    return %c0_i32, %c0_i32_0 : i32, i32
  }
  func.func @transform_15(%arg0: i32) -> (i32, i32) {
    %c0_i32 = arith.constant 0 : i32
    %c0_i32_0 = arith.constant 0 : i32
    %c0_i32_1 = arith.constant 0 : i32
    return %c0_i32, %c0_i32_0 : i32, i32
  }
  func.func @transform_16(%arg0: i32) -> (i32, i32) {
    %c0_i32 = arith.constant 0 : i32
    %c0_i32_0 = arith.constant 0 : i32
    %c0_i32_1 = arith.constant 0 : i32
    return %c0_i32, %c0_i32_0 : i32, i32
  }
  func.func @transform_17(%arg0: i32) -> (i32, i32) {
    %c0_i32 = arith.constant 0 : i32
    %c0_i32_0 = arith.constant 0 : i32
    %c0_i32_1 = arith.constant 0 : i32
    return %c0_i32, %c0_i32_0 : i32, i32
  }
  func.func @transform_18(%arg0: i32) -> (i32, i32) {
    %c0_i32 = arith.constant 0 : i32
    %c0_i32_0 = arith.constant 0 : i32
    %c0_i32_1 = arith.constant 0 : i32
    return %c0_i32, %c0_i32_0 : i32, i32
  }
  func.func @transform_19(%arg0: i32) -> (i32, i32) {
    %c0_i32 = arith.constant 0 : i32
    %c0_i32_0 = arith.constant 0 : i32
    %c0_i32_1 = arith.constant 0 : i32
    return %c0_i32, %c0_i32_0 : i32, i32
  }
}

module attributes {stable_mosaic.version = 14 : i64} {
  func.func @_tc_body_b(%arg0: i32, %arg1: memref<4096x128xf32, #tpu.memory_space<vmem>>, %arg2: memref<1x1x4096xi32, #tpu.memory_space<vmem>>, %arg3: memref<1x1x4096xi32, #tpu.memory_space<vmem>>, %arg4: memref<1x1x4096xi32, #tpu.memory_space<vmem>>, %arg5: memref<8x128xf32, #tpu.memory_space<vmem>>, %arg6: memref<128x256xf32, #tpu.memory_space<vmem>>, %arg7: memref<128x128xf32, #tpu.memory_space<vmem>>, %arg8: memref<128x256xf32, #tpu.memory_space<vmem>>, %arg9: memref<128x128xf32, #tpu.memory_space<vmem>>, %arg10: memref<1x128xf32, #tpu.memory_space<vmem>>, %arg11: memref<1x128xf32, #tpu.memory_space<vmem>>, %arg12: memref<1x128xf32, #tpu.memory_space<vmem>>, %arg13: memref<1x128xf32, #tpu.memory_space<vmem>>, %arg14: memref<1x128xf32, #tpu.memory_space<vmem>>, %arg15: memref<1x1xf32, #tpu.memory_space<vmem>>, %arg16: memref<16x1xf32, #tpu.memory_space<vmem>>, %arg17: memref<16x1xf32, #tpu.memory_space<vmem>>, %arg18: memref<16x128xf32, #tpu.memory_space<vmem>>, %arg19: memref<16x128xf32, #tpu.memory_space<vmem>>, %arg20: memref<16x128xf32, #tpu.memory_space<vmem>>, %arg21: memref<16x1xf32, #tpu.memory_space<vmem>>, %arg22: memref<16x1xf32, #tpu.memory_space<vmem>>, %arg23: memref<16x128xf32, #tpu.memory_space<vmem>>, %arg24: memref<8x128xf32, #tpu.memory_space<vmem>>, %arg25: memref<16x128xf32, #tpu.memory_space<vmem>>, %arg26: memref<1x4096xf32, #tpu.memory_space<vmem>>, %arg27: memref<4096x128xf32, #tpu.memory_space<vmem>>) attributes {dimension_semantics = [#tpu.dimension_semantics<arbitrary>], iteration_bounds = array<i64: 2>, scalar_prefetch = 0 : i64, scratch_operands = 7 : i64, tpu.core_type = #tpu.core_type<tc>, window_params = [{transform_indices = @transform_0, window_bounds = array<i64: 4096, 128>}, {transform_indices = @transform_1, window_bounds = array<i64: 1, 1, 4096>}, {transform_indices = @transform_2, window_bounds = array<i64: 1, 1, 4096>}, {transform_indices = @transform_3, window_bounds = array<i64: 1, 1, 4096>}, {pipeline_mode = #tpu.pipeline_mode<synchronous>, transform_indices = @transform_4, window_bounds = array<i64: 8, 128>}, {pipeline_mode = #tpu.pipeline_mode<synchronous>, transform_indices = @transform_5, window_bounds = array<i64: 128, 256>}, {pipeline_mode = #tpu.pipeline_mode<synchronous>, transform_indices = @transform_6, window_bounds = array<i64: 128, 128>}, {pipeline_mode = #tpu.pipeline_mode<synchronous>, transform_indices = @transform_7, window_bounds = array<i64: 128, 256>}, {pipeline_mode = #tpu.pipeline_mode<synchronous>, transform_indices = @transform_8, window_bounds = array<i64: 128, 128>}, {pipeline_mode = #tpu.pipeline_mode<synchronous>, transform_indices = @transform_9, window_bounds = array<i64: 1, 128>}, {pipeline_mode = #tpu.pipeline_mode<synchronous>, transform_indices = @transform_10, window_bounds = array<i64: 1, 128>}, {pipeline_mode = #tpu.pipeline_mode<synchronous>, transform_indices = @transform_11, window_bounds = array<i64: 1, 128>}, {pipeline_mode = #tpu.pipeline_mode<synchronous>, transform_indices = @transform_12, window_bounds = array<i64: 1, 128>}, {pipeline_mode = #tpu.pipeline_mode<synchronous>, transform_indices = @transform_13, window_bounds = array<i64: 1, 128>}, {pipeline_mode = #tpu.pipeline_mode<synchronous>, transform_indices = @transform_14, window_bounds = array<i64: 1, 1>}, {pipeline_mode = #tpu.pipeline_mode<synchronous>, transform_indices = @transform_15, window_bounds = array<i64: 16, 1>}, {pipeline_mode = #tpu.pipeline_mode<synchronous>, transform_indices = @transform_16, window_bounds = array<i64: 16, 1>}, {pipeline_mode = #tpu.pipeline_mode<synchronous>, transform_indices = @transform_17, window_bounds = array<i64: 16, 128>}, {pipeline_mode = #tpu.pipeline_mode<synchronous>, transform_indices = @transform_18, window_bounds = array<i64: 16, 128>}, {pipeline_mode = #tpu.pipeline_mode<synchronous>, transform_indices = @transform_19, window_bounds = array<i64: 16, 128>}]} {
    %eq3A = arith.constant 0 : i32
    %eq3A_0 = arith.cmpi eq, %arg0, %eq3A : i32
    %convert_element_type3A = arith.extui %eq3A_0 : i1 to i32
    %cond3A = arith.constant 0 : i32
    %cond3A_1 = arith.cmpi ne, %convert_element_type3A, %cond3A : i32
    scf.if %cond3A_1 {
      %get3A_306 = arith.constant 0 : index
      %get3A_307 = arith.constant 0 : index
      %get3A_308 = vector.load %arg16[%get3A_306, %get3A_307] : memref<16x1xf32, #tpu.memory_space<vmem>>, vector<16x1xf32>
      %swap3A_309 = arith.constant 0 : index
      %swap3A_310 = arith.constant 0 : index
      %swap3A_311 = vector.load %arg21[%swap3A_309, %swap3A_310] : memref<16x1xf32, #tpu.memory_space<vmem>>, vector<16x1xf32>
      tpu.vector_store %arg21[%swap3A_309, %swap3A_310], %get3A_308 {strides = array<i32>} : memref<16x1xf32, #tpu.memory_space<vmem>>, vector<16x1xf32>,
      %get3A_312 = arith.constant 0 : index
      %get3A_313 = arith.constant 0 : index
      %get3A_314 = vector.load %arg17[%get3A_312, %get3A_313] : memref<16x1xf32, #tpu.memory_space<vmem>>, vector<16x1xf32>
      %swap3A_315 = arith.constant 0 : index
      %swap3A_316 = arith.constant 0 : index
      %swap3A_317 = vector.load %arg22[%swap3A_315, %swap3A_316] : memref<16x1xf32, #tpu.memory_space<vmem>>, vector<16x1xf32>
      tpu.vector_store %arg22[%swap3A_315, %swap3A_316], %get3A_314 {strides = array<i32>} : memref<16x1xf32, #tpu.memory_space<vmem>>, vector<16x1xf32>,
      %get3A_318 = arith.constant 0 : index
      %get3A_319 = arith.constant 0 : index
      %get3A_320 = vector.load %arg18[%get3A_318, %get3A_319] : memref<16x128xf32, #tpu.memory_space<vmem>>, vector<16x128xf32>
      %swap3A_321 = arith.constant 0 : index
      %swap3A_322 = arith.constant 0 : index
      %swap3A_323 = vector.load %arg23[%swap3A_321, %swap3A_322] : memref<16x128xf32, #tpu.memory_space<vmem>>, vector<16x128xf32>
      tpu.vector_store %arg23[%swap3A_321, %swap3A_322], %get3A_320 {strides = array<i32>} : memref<16x128xf32, #tpu.memory_space<vmem>>, vector<16x128xf32>,
      %get3A_324 = arith.constant 0 : index
      %get3A_325 = arith.constant 0 : index
      %get3A_326 = vector.load %arg19[%get3A_324, %get3A_325] : memref<16x128xf32, #tpu.memory_space<vmem>>, vector<16x128xf32>
      %swap3A_327 = arith.constant 0 : index
      %swap3A_328 = arith.constant 0 : index
      %swap3A_329 = vector.load %arg25[%swap3A_327, %swap3A_328] : memref<16x128xf32, #tpu.memory_space<vmem>>, vector<16x128xf32>
      tpu.vector_store %arg25[%swap3A_327, %swap3A_328], %get3A_326 {strides = array<i32>} : memref<16x128xf32, #tpu.memory_space<vmem>>, vector<16x128xf32>,
      %broadcast_in_dim3A_330 = arith.constant -1.000000e+30 : f32
      %broadcast_in_dim3A_331 = vector.broadcast %broadcast_in_dim3A_330 : f32 to vector<1x4096xf32>
      %swap3A_332 = arith.constant 0 : index
      %swap3A_333 = arith.constant 0 : index
      %swap3A_334 = vector.load %arg26[%swap3A_332, %swap3A_333] : memref<1x4096xf32, #tpu.memory_space<vmem>>, vector<1x4096xf32>
      tpu.vector_store %arg26[%swap3A_332, %swap3A_333], %broadcast_in_dim3A_331 {strides = array<i32>} : memref<1x4096xf32, #tpu.memory_space<vmem>>, vector<1x4096xf32>,
      %broadcast_in_dim3A_335 = arith.constant 0.000000e+00 : f32
      %broadcast_in_dim3A_336 = vector.broadcast %broadcast_in_dim3A_335 : f32 to vector<4096x128xf32>
      %swap3A_337 = arith.constant 0 : index
      %swap3A_338 = arith.constant 0 : index
      %swap3A_339 = vector.load %arg27[%swap3A_337, %swap3A_338] : memref<4096x128xf32, #tpu.memory_space<vmem>>, vector<4096x128xf32>
      tpu.vector_store %arg27[%swap3A_337, %swap3A_338], %broadcast_in_dim3A_336 {strides = array<i32>} : memref<4096x128xf32, #tpu.memory_space<vmem>>, vector<4096x128xf32>,
      %get3A_340 = arith.constant 0 : index
      %get3A_341 = arith.constant 0 : index
      %get3A_342 = vector.load %arg5[%get3A_340, %get3A_341] : memref<8x128xf32, #tpu.memory_space<vmem>>, vector<8x128xf32>
      %get3A_343 = arith.constant 0 : index
      %get3A_344 = arith.constant 0 : index
      %get3A_345 = vector.load %arg6[%get3A_343, %get3A_344] : memref<128x256xf32, #tpu.memory_space<vmem>>, vector<128x256xf32>
      %slice3A_346 = vector.extract_strided_slice %get3A_345 {offsets = [0, 128], sizes = [128, 128], strides = [1, 1]} : vector<128x256xf32> to vector<128x128xf32>
      %dot_general3A_347 = arith.constant dense<0.000000e+00> : vector<8x128xf32>
      %dot_general3A_348 = tpu.matmul %get3A_342, %slice3A_346, %dot_general3A_347 {dimension_numbers = #tpu.dot_dimension_numbers<[1], [1], [0], [0], [0, 0, 1, 0], [], []>, transpose_lhs_hint = false} : vector<8x128xf32>, vector<128x128xf32>, vector<8x128xf32> -> vector<8x128xf32>
      %get3A_349 = arith.constant 0 : index
      %get3A_350 = arith.constant 0 : index
      %get3A_351 = vector.load %arg11[%get3A_349, %get3A_350] : memref<1x128xf32, #tpu.memory_space<vmem>>, vector<1x128xf32>
      %add3A_352 = vector.broadcast %get3A_351 : vector<1x128xf32> to vector<8x128xf32>
      %add3A_353 = arith.addf %dot_general3A_348, %add3A_352 : vector<8x128xf32>
      %swap3A_354 = arith.constant 0 : index
      %swap3A_355 = arith.constant 0 : index
      %swap3A_356 = vector.load %arg24[%swap3A_354, %swap3A_355] : memref<8x128xf32, #tpu.memory_space<vmem>>, vector<8x128xf32>
      tpu.vector_store %arg24[%swap3A_354, %swap3A_355], %add3A_353 {strides = array<i32>} : memref<8x128xf32, #tpu.memory_space<vmem>>, vector<8x128xf32>,
    } else {
    }
    %get3A = arith.constant 0 : index
    %get3A_2 = arith.constant 0 : index
    %get3A_3 = arith.constant 0 : index
    %get3A_4 = vector.load %arg4[%get3A, %get3A_2, %get3A_3] : memref<1x1x4096xi32, #tpu.memory_space<vmem>>, vector<1x1x4096xi32>
    %reshape3A = vector.shape_cast %get3A_4 : vector<1x1x4096xi32> to vector<1x4096xi32>
    %iota3A = tpu.iota {dimensions = array<i32: 0>} : vector<16x4096xi32>
    %eq3A_5 = vector.broadcast %reshape3A : vector<1x4096xi32> to vector<16x4096xi32>
    %eq3A_6 = arith.cmpi eq, %eq3A_5, %iota3A : vector<16x4096xi32>
    %convert_element_type3A_7 = arith.extui %eq3A_6 : vector<16x4096xi1> to vector<16x4096xi32>
    %convert_element_type3A_8 = arith.sitofp %convert_element_type3A_7 : vector<16x4096xi32> to vector<16x4096xf32>
    %get3A_9 = arith.constant 0 : index
    %get3A_10 = arith.constant 0 : index
    %get3A_11 = vector.load %arg26[%get3A_9, %get3A_10] : memref<1x4096xf32, #tpu.memory_space<vmem>>, vector<1x4096xf32>
    %gt3A = arith.constant 0.000000e+00 : f32
    %gt3A_12 = vector.broadcast %gt3A : f32 to vector<16x4096xf32>
    %gt3A_13 = arith.cmpf ogt, %convert_element_type3A_8, %gt3A_12 : vector<16x4096xf32>
    %jit3A = arith.constant -1.000000e+30 : f32
    %broadcast_in_dim3A = vector.shape_cast %get3A_11 : vector<1x4096xf32> to vector<1x4096xf32>
    %broadcast_in_dim3A_14 = vector.broadcast %broadcast_in_dim3A : vector<1x4096xf32> to vector<16x4096xf32>
    %broadcast_in_dim3A_15 = vector.broadcast %jit3A : f32 to vector<16x4096xf32>
    %select_n3A = arith.select %gt3A_13, %broadcast_in_dim3A_14, %broadcast_in_dim3A_15 : vector<16x4096xi1>, vector<16x4096xf32>
    %get3A_16 = arith.constant 0 : index
    %get3A_17 = arith.constant 0 : index
    %get3A_18 = vector.load %arg21[%get3A_16, %get3A_17] : memref<16x1xf32, #tpu.memory_space<vmem>>, vector<16x1xf32>
    %reduce_max3A = arith.constant dense<0xFF800000> : vector<16xf32>
    %reduce_max3A_19 = vector.multi_reduction <maximumf>, %select_n3A, %reduce_max3A [1] : vector<16x4096xf32> to vector<16xf32>
    %broadcast_in_dim3A_20 = vector.shape_cast %reduce_max3A_19 : vector<16xf32> to vector<16x1xf32>
    %max3A = arith.maximumf %get3A_18, %broadcast_in_dim3A_20 : vector<16x1xf32>
    %max3A_21 = arith.constant -1.000000e+20 : f32
    %max3A_22 = vector.broadcast %max3A_21 : f32 to vector<16x1xf32>
    %max3A_23 = arith.maximumf %max3A, %max3A_22 : vector<16x1xf32>
    %sub3A = arith.subf %get3A_18, %max3A_23 : vector<16x1xf32>
    %exp3A = math.exp %sub3A : vector<16x1xf32>
    %dot_general3A = arith.constant dense<0.000000e+00> : vector<1x4096xf32>
    %dot_general3A_24 = tpu.matmul %max3A_23, %convert_element_type3A_8, %dot_general3A {dimension_numbers = #tpu.dot_dimension_numbers<[0], [0], [1], [1], [0, 1, 1, 1], [], []>, transpose_lhs_hint = false} : vector<16x1xf32>, vector<16x4096xf32>, vector<1x4096xf32> -> vector<1x4096xf32>
    %sub3A_25 = arith.subf %get3A_11, %dot_general3A_24 : vector<1x4096xf32>
    %exp3A_26 = math.exp %sub3A_25 : vector<1x4096xf32>
    %mul3A = vector.broadcast %exp3A_26 : vector<1x4096xf32> to vector<16x4096xf32>
    %mul3A_27 = arith.mulf %convert_element_type3A_8, %mul3A : vector<16x4096xf32>
    %dot_general3A_28 = arith.constant dense<0.000000e+00> : vector<16x1xf32>
    %dot_general3A_29 = tpu.matmul %convert_element_type3A_8, %exp3A_26, %dot_general3A_28 {dimension_numbers = #tpu.dot_dimension_numbers<[1], [1], [0], [0], [0, 0, 1, 0], [], []>, transpose_lhs_hint = false} : vector<16x4096xf32>, vector<1x4096xf32>, vector<16x1xf32> -> vector<16x1xf32>
    %get3A_30 = arith.constant 0 : index
    %get3A_31 = arith.constant 0 : index
    %get3A_32 = vector.load %arg22[%get3A_30, %get3A_31] : memref<16x1xf32, #tpu.memory_space<vmem>>, vector<16x1xf32>
    %mul3A_33 = arith.mulf %get3A_32, %exp3A : vector<16x1xf32>
    %add3A = arith.addf %mul3A_33, %dot_general3A_29 : vector<16x1xf32>
    %swap3A = arith.constant 0 : index
    %swap3A_34 = arith.constant 0 : index
    %swap3A_35 = vector.load %arg22[%swap3A, %swap3A_34] : memref<16x1xf32, #tpu.memory_space<vmem>>, vector<16x1xf32>
    tpu.vector_store %arg22[%swap3A, %swap3A_34], %add3A {strides = array<i32>} : memref<16x1xf32, #tpu.memory_space<vmem>>, vector<16x1xf32>,
    %swap3A_36 = arith.constant 0 : index
    %swap3A_37 = arith.constant 0 : index
    %swap3A_38 = vector.load %arg21[%swap3A_36, %swap3A_37] : memref<16x1xf32, #tpu.memory_space<vmem>>, vector<16x1xf32>
    tpu.vector_store %arg21[%swap3A_36, %swap3A_37], %max3A {strides = array<i32>} : memref<16x1xf32, #tpu.memory_space<vmem>>, vector<16x1xf32>,
    %iota3A_39 = tpu.iota {dimensions = array<i32: 0>} : vector<16x16xi32>
    %iota3A_40 = tpu.iota {dimensions = array<i32: 1>} : vector<16x16xi32>
    %eq3A_41 = arith.cmpi eq, %iota3A_39, %iota3A_40 : vector<16x16xi32>
    %broadcast_in_dim3A_42 = arith.constant 1.000000e+00 : f32
    %broadcast_in_dim3A_43 = vector.broadcast %broadcast_in_dim3A_42 : f32 to vector<1x16xf32>
    %dot_general3A_44 = arith.constant dense<0.000000e+00> : vector<16x16xf32>
    %dot_general3A_45 = tpu.matmul %exp3A, %broadcast_in_dim3A_43, %dot_general3A_44 {dimension_numbers = #tpu.dot_dimension_numbers<[1], [0], [0], [1], [0, 0, 1, 1], [], []>, transpose_lhs_hint = false} : vector<16x1xf32>, vector<1x16xf32>, vector<16x16xf32> -> vector<16x16xf32>
    %jit3A_46 = arith.constant 0.000000e+00 : f32
    %broadcast_in_dim3A_47 = vector.broadcast %jit3A_46 : f32 to vector<16x16xf32>
    %select_n3A_48 = arith.select %eq3A_41, %dot_general3A_45, %broadcast_in_dim3A_47 : vector<16x16xi1>, vector<16x16xf32>
    %get3A_49 = arith.constant 0 : index
    %get3A_50 = arith.constant 0 : index
    %get3A_51 = vector.load %arg23[%get3A_49, %get3A_50] : memref<16x128xf32, #tpu.memory_space<vmem>>, vector<16x128xf32>
    %dot_general3A_52 = arith.constant dense<0.000000e+00> : vector<16x128xf32>
    %dot_general3A_53 = tpu.matmul %select_n3A_48, %get3A_51, %dot_general3A_52 {dimension_numbers = #tpu.dot_dimension_numbers<[1], [0], [0], [1], [0, 0, 1, 1], [], []>, transpose_lhs_hint = false} : vector<16x16xf32>, vector<16x128xf32>, vector<16x128xf32> -> vector<16x128xf32>
    %get3A_54 = arith.constant 0 : index
    %get3A_55 = arith.constant 0 : index
    %get3A_56 = vector.load %arg27[%get3A_54, %get3A_55] : memref<4096x128xf32, #tpu.memory_space<vmem>>, vector<4096x128xf32>
    %dot_general3A_57 = arith.constant dense<0.000000e+00> : vector<16x128xf32>
    %dot_general3A_58 = tpu.matmul %mul3A_27, %get3A_56, %dot_general3A_57 {dimension_numbers = #tpu.dot_dimension_numbers<[1], [0], [0], [1], [0, 0, 1, 1], [], []>, transpose_lhs_hint = false} : vector<16x4096xf32>, vector<4096x128xf32>, vector<16x128xf32> -> vector<16x128xf32>
    %add3A_59 = arith.addf %dot_general3A_53, %dot_general3A_58 : vector<16x128xf32>
    %swap3A_60 = arith.constant 0 : index
    %swap3A_61 = arith.constant 0 : index
    %swap3A_62 = vector.load %arg23[%swap3A_60, %swap3A_61] : memref<16x128xf32, #tpu.memory_space<vmem>>, vector<16x128xf32>
    tpu.vector_store %arg23[%swap3A_60, %swap3A_61], %add3A_59 {strides = array<i32>} : memref<16x128xf32, #tpu.memory_space<vmem>>, vector<16x128xf32>,
    %get3A_63 = arith.constant 0 : index
    %get3A_64 = arith.constant 0 : index
    %get3A_65 = vector.load %arg1[%get3A_63, %get3A_64] : memref<4096x128xf32, #tpu.memory_space<vmem>>, vector<4096x128xf32>
    %get3A_66 = arith.constant 0 : index
    %get3A_67 = arith.constant 0 : index
    %get3A_68 = arith.constant 0 : index
    %get3A_69 = vector.load %arg2[%get3A_66, %get3A_67, %get3A_68] : memref<1x1x4096xi32, #tpu.memory_space<vmem>>, vector<1x1x4096xi32>
    %reshape3A_70 = vector.shape_cast %get3A_69 : vector<1x1x4096xi32> to vector<1x4096xi32>
    %get3A_71 = arith.constant 0 : index
    %get3A_72 = arith.constant 0 : index
    %get3A_73 = arith.constant 0 : index
    %get3A_74 = vector.load %arg3[%get3A_71, %get3A_72, %get3A_73] : memref<1x1x4096xi32, #tpu.memory_space<vmem>>, vector<1x1x4096xi32>
    %reshape3A_75 = vector.shape_cast %get3A_74 : vector<1x1x4096xi32> to vector<1x4096xi32>
    %iota3A_76 = tpu.iota {dimensions = array<i32: 0>} : vector<16x4096xi32>
    %eq3A_77 = vector.broadcast %reshape3A_70 : vector<1x4096xi32> to vector<16x4096xi32>
    %eq3A_78 = arith.cmpi eq, %eq3A_77, %iota3A_76 : vector<16x4096xi32>
    %convert_element_type3A_79 = arith.extui %eq3A_78 : vector<16x4096xi1> to vector<16x4096xi32>
    %convert_element_type3A_80 = arith.sitofp %convert_element_type3A_79 : vector<16x4096xi32> to vector<16x4096xf32>
    %iota3A_81 = tpu.iota {dimensions = array<i32: 0>} : vector<8x4096xi32>
    %eq3A_82 = vector.broadcast %reshape3A_75 : vector<1x4096xi32> to vector<8x4096xi32>
    %eq3A_83 = arith.cmpi eq, %eq3A_82, %iota3A_81 : vector<8x4096xi32>
    %convert_element_type3A_84 = arith.extui %eq3A_83 : vector<8x4096xi1> to vector<8x4096xi32>
    %convert_element_type3A_85 = arith.sitofp %convert_element_type3A_84 : vector<8x4096xi32> to vector<8x4096xf32>
    %get3A_86 = arith.constant 0 : index
    %get3A_87 = arith.constant 0 : index
    %get3A_88 = vector.load %arg6[%get3A_86, %get3A_87] : memref<128x256xf32, #tpu.memory_space<vmem>>, vector<128x256xf32>
    %get3A_89 = arith.constant 0 : index
    %get3A_90 = arith.constant 0 : index
    %get3A_91 = vector.load %arg8[%get3A_89, %get3A_90] : memref<128x256xf32, #tpu.memory_space<vmem>>, vector<128x256xf32>
    %get3A_92 = arith.constant 0 : index
    %get3A_93 = arith.constant 0 : index
    %get3A_94 = vector.load %arg24[%get3A_92, %get3A_93] : memref<8x128xf32, #tpu.memory_space<vmem>>, vector<8x128xf32>
    %dot_general3A_95 = arith.constant dense<0.000000e+00> : vector<4096x128xf32>
    %dot_general3A_96 = tpu.matmul %convert_element_type3A_85, %get3A_94, %dot_general3A_95 {dimension_numbers = #tpu.dot_dimension_numbers<[0], [0], [1], [1], [0, 1, 1, 1], [], []>, transpose_lhs_hint = false} : vector<8x4096xf32>, vector<8x128xf32>, vector<4096x128xf32> -> vector<4096x128xf32>
    %get3A_97 = arith.constant 0 : index
    %get3A_98 = arith.constant 0 : index
    %get3A_99 = vector.load %arg25[%get3A_97, %get3A_98] : memref<16x128xf32, #tpu.memory_space<vmem>>, vector<16x128xf32>
    %dot_general3A_100 = arith.constant dense<0.000000e+00> : vector<4096x128xf32>
    %dot_general3A_101 = tpu.matmul %convert_element_type3A_80, %get3A_99, %dot_general3A_100 {dimension_numbers = #tpu.dot_dimension_numbers<[0], [0], [1], [1], [0, 1, 1, 1], [], []>, transpose_lhs_hint = false} : vector<16x4096xf32>, vector<16x128xf32>, vector<4096x128xf32> -> vector<4096x128xf32>
    %get3A_102 = arith.constant 0 : index
    %get3A_103 = arith.constant 0 : index
    %get3A_104 = vector.load %arg7[%get3A_102, %get3A_103] : memref<128x128xf32, #tpu.memory_space<vmem>>, vector<128x128xf32>
    %get3A_105 = arith.constant 0 : index
    %get3A_106 = arith.constant 0 : index
    %get3A_107 = vector.load %arg9[%get3A_105, %get3A_106] : memref<128x128xf32, #tpu.memory_space<vmem>>, vector<128x128xf32>
    %get3A_108 = arith.constant 0 : index
    %get3A_109 = arith.constant 0 : index
    %get3A_110 = vector.load %arg10[%get3A_108, %get3A_109] : memref<1x128xf32, #tpu.memory_space<vmem>>, vector<1x128xf32>
    %get3A_111 = arith.constant 0 : index
    %get3A_112 = arith.constant 0 : index
    %get3A_113 = vector.load %arg12[%get3A_111, %get3A_112] : memref<1x128xf32, #tpu.memory_space<vmem>>, vector<1x128xf32>
    %get3A_114 = arith.constant 0 : index
    %get3A_115 = arith.constant 0 : index
    %get3A_116 = vector.load %arg14[%get3A_114, %get3A_115] : memref<1x128xf32, #tpu.memory_space<vmem>>, vector<1x128xf32>
    %slice3A = vector.extract_strided_slice %get3A_65 {offsets = [0, 0], sizes = [1024, 128], strides = [1, 1]} : vector<4096x128xf32> to vector<1024x128xf32>
    %slice3A_117 = vector.extract_strided_slice %get3A_88 {offsets = [0, 0], sizes = [128, 128], strides = [1, 1]} : vector<128x256xf32> to vector<128x128xf32>
    %convert_element_type3A_118 = arith.truncf %slice3A : vector<1024x128xf32> to vector<1024x128xbf16>
    %convert_element_type3A_119 = arith.truncf %slice3A_117 : vector<128x128xf32> to vector<128x128xbf16>
    %dot_general3A_120 = arith.constant dense<0.000000e+00> : vector<1024x128xf32>
    %dot_general3A_121 = tpu.matmul %convert_element_type3A_118, %convert_element_type3A_119, %dot_general3A_120 {dimension_numbers = #tpu.dot_dimension_numbers<[1], [1], [0], [0], [0, 0, 1, 0], [], []>, transpose_lhs_hint = false} : vector<1024x128xbf16>, vector<128x128xbf16>, vector<1024x128xf32> -> vector<1024x128xf32>
    %slice3A_122 = vector.extract_strided_slice %dot_general3A_96 {offsets = [0, 0], sizes = [1024, 128], strides = [1, 1]} : vector<4096x128xf32> to vector<1024x128xf32>
    %add3A_123 = arith.addf %dot_general3A_121, %slice3A_122 : vector<1024x128xf32>
    %max3A_124 = arith.constant 0.000000e+00 : f32
    %max3A_125 = vector.broadcast %max3A_124 : f32 to vector<1024x128xf32>
    %max3A_126 = arith.maximumf %add3A_123, %max3A_125 : vector<1024x128xf32>
    %slice3A_127 = vector.extract_strided_slice %get3A_65 {offsets = [1024, 0], sizes = [1024, 128], strides = [1, 1]} : vector<4096x128xf32> to vector<1024x128xf32>
    %slice3A_128 = vector.extract_strided_slice %get3A_88 {offsets = [0, 0], sizes = [128, 128], strides = [1, 1]} : vector<128x256xf32> to vector<128x128xf32>
    %convert_element_type3A_129 = arith.truncf %slice3A_127 : vector<1024x128xf32> to vector<1024x128xbf16>
    %convert_element_type3A_130 = arith.truncf %slice3A_128 : vector<128x128xf32> to vector<128x128xbf16>
    %dot_general3A_131 = arith.constant dense<0.000000e+00> : vector<1024x128xf32>
    %dot_general3A_132 = tpu.matmul %convert_element_type3A_129, %convert_element_type3A_130, %dot_general3A_131 {dimension_numbers = #tpu.dot_dimension_numbers<[1], [1], [0], [0], [0, 0, 1, 0], [], []>, transpose_lhs_hint = false} : vector<1024x128xbf16>, vector<128x128xbf16>, vector<1024x128xf32> -> vector<1024x128xf32>
    %slice3A_133 = vector.extract_strided_slice %dot_general3A_96 {offsets = [1024, 0], sizes = [1024, 128], strides = [1, 1]} : vector<4096x128xf32> to vector<1024x128xf32>
    %add3A_134 = arith.addf %dot_general3A_132, %slice3A_133 : vector<1024x128xf32>
    %max3A_135 = arith.constant 0.000000e+00 : f32
    %max3A_136 = vector.broadcast %max3A_135 : f32 to vector<1024x128xf32>
    %max3A_137 = arith.maximumf %add3A_134, %max3A_136 : vector<1024x128xf32>
    %slice3A_138 = vector.extract_strided_slice %get3A_65 {offsets = [2048, 0], sizes = [1024, 128], strides = [1, 1]} : vector<4096x128xf32> to vector<1024x128xf32>
    %slice3A_139 = vector.extract_strided_slice %get3A_88 {offsets = [0, 0], sizes = [128, 128], strides = [1, 1]} : vector<128x256xf32> to vector<128x128xf32>
    %convert_element_type3A_140 = arith.truncf %slice3A_138 : vector<1024x128xf32> to vector<1024x128xbf16>
    %convert_element_type3A_141 = arith.truncf %slice3A_139 : vector<128x128xf32> to vector<128x128xbf16>
    %dot_general3A_142 = arith.constant dense<0.000000e+00> : vector<1024x128xf32>
    %dot_general3A_143 = tpu.matmul %convert_element_type3A_140, %convert_element_type3A_141, %dot_general3A_142 {dimension_numbers = #tpu.dot_dimension_numbers<[1], [1], [0], [0], [0, 0, 1, 0], [], []>, transpose_lhs_hint = false} : vector<1024x128xbf16>, vector<128x128xbf16>, vector<1024x128xf32> -> vector<1024x128xf32>
    %slice3A_144 = vector.extract_strided_slice %dot_general3A_96 {offsets = [2048, 0], sizes = [1024, 128], strides = [1, 1]} : vector<4096x128xf32> to vector<1024x128xf32>
    %add3A_145 = arith.addf %dot_general3A_143, %slice3A_144 : vector<1024x128xf32>
    %max3A_146 = arith.constant 0.000000e+00 : f32
    %max3A_147 = vector.broadcast %max3A_146 : f32 to vector<1024x128xf32>
    %max3A_148 = arith.maximumf %add3A_145, %max3A_147 : vector<1024x128xf32>
    %slice3A_149 = vector.extract_strided_slice %get3A_65 {offsets = [3072, 0], sizes = [1024, 128], strides = [1, 1]} : vector<4096x128xf32> to vector<1024x128xf32>
    %slice3A_150 = vector.extract_strided_slice %get3A_88 {offsets = [0, 0], sizes = [128, 128], strides = [1, 1]} : vector<128x256xf32> to vector<128x128xf32>
    %convert_element_type3A_151 = arith.truncf %slice3A_149 : vector<1024x128xf32> to vector<1024x128xbf16>
    %convert_element_type3A_152 = arith.truncf %slice3A_150 : vector<128x128xf32> to vector<128x128xbf16>
    %dot_general3A_153 = arith.constant dense<0.000000e+00> : vector<1024x128xf32>
    %dot_general3A_154 = tpu.matmul %convert_element_type3A_151, %convert_element_type3A_152, %dot_general3A_153 {dimension_numbers = #tpu.dot_dimension_numbers<[1], [1], [0], [0], [0, 0, 1, 0], [], []>, transpose_lhs_hint = false} : vector<1024x128xbf16>, vector<128x128xbf16>, vector<1024x128xf32> -> vector<1024x128xf32>
    %slice3A_155 = vector.extract_strided_slice %dot_general3A_96 {offsets = [3072, 0], sizes = [1024, 128], strides = [1, 1]} : vector<4096x128xf32> to vector<1024x128xf32>
    %add3A_156 = arith.addf %dot_general3A_154, %slice3A_155 : vector<1024x128xf32>
    %max3A_157 = arith.constant 0.000000e+00 : f32
    %max3A_158 = vector.broadcast %max3A_157 : f32 to vector<1024x128xf32>
    %max3A_159 = arith.maximumf %add3A_156, %max3A_158 : vector<1024x128xf32>
    %convert_element_type3A_160 = arith.truncf %max3A_126 : vector<1024x128xf32> to vector<1024x128xbf16>
    %convert_element_type3A_161 = arith.truncf %get3A_104 : vector<128x128xf32> to vector<128x128xbf16>
    %dot_general3A_162 = arith.constant dense<0.000000e+00> : vector<1024x128xf32>
    %dot_general3A_163 = tpu.matmul %convert_element_type3A_160, %convert_element_type3A_161, %dot_general3A_162 {dimension_numbers = #tpu.dot_dimension_numbers<[1], [1], [0], [0], [0, 0, 1, 0], [], []>, transpose_lhs_hint = false} : vector<1024x128xbf16>, vector<128x128xbf16>, vector<1024x128xf32> -> vector<1024x128xf32>
    %add3A_164 = vector.broadcast %get3A_113 : vector<1x128xf32> to vector<1024x128xf32>
    %add3A_165 = arith.addf %dot_general3A_163, %add3A_164 : vector<1024x128xf32>
    %max3A_166 = arith.constant 0.000000e+00 : f32
    %max3A_167 = vector.broadcast %max3A_166 : f32 to vector<1024x128xf32>
    %max3A_168 = arith.maximumf %add3A_165, %max3A_167 : vector<1024x128xf32>
    %convert_element_type3A_169 = arith.truncf %max3A_137 : vector<1024x128xf32> to vector<1024x128xbf16>
    %convert_element_type3A_170 = arith.truncf %get3A_104 : vector<128x128xf32> to vector<128x128xbf16>
    %dot_general3A_171 = arith.constant dense<0.000000e+00> : vector<1024x128xf32>
    %dot_general3A_172 = tpu.matmul %convert_element_type3A_169, %convert_element_type3A_170, %dot_general3A_171 {dimension_numbers = #tpu.dot_dimension_numbers<[1], [1], [0], [0], [0, 0, 1, 0], [], []>, transpose_lhs_hint = false} : vector<1024x128xbf16>, vector<128x128xbf16>, vector<1024x128xf32> -> vector<1024x128xf32>
    %add3A_173 = vector.broadcast %get3A_113 : vector<1x128xf32> to vector<1024x128xf32>
    %add3A_174 = arith.addf %dot_general3A_172, %add3A_173 : vector<1024x128xf32>
    %max3A_175 = arith.constant 0.000000e+00 : f32
    %max3A_176 = vector.broadcast %max3A_175 : f32 to vector<1024x128xf32>
    %max3A_177 = arith.maximumf %add3A_174, %max3A_176 : vector<1024x128xf32>
    %convert_element_type3A_178 = arith.truncf %max3A_148 : vector<1024x128xf32> to vector<1024x128xbf16>
    %convert_element_type3A_179 = arith.truncf %get3A_104 : vector<128x128xf32> to vector<128x128xbf16>
    %dot_general3A_180 = arith.constant dense<0.000000e+00> : vector<1024x128xf32>
    %dot_general3A_181 = tpu.matmul %convert_element_type3A_178, %convert_element_type3A_179, %dot_general3A_180 {dimension_numbers = #tpu.dot_dimension_numbers<[1], [1], [0], [0], [0, 0, 1, 0], [], []>, transpose_lhs_hint = false} : vector<1024x128xbf16>, vector<128x128xbf16>, vector<1024x128xf32> -> vector<1024x128xf32>
    %add3A_182 = vector.broadcast %get3A_113 : vector<1x128xf32> to vector<1024x128xf32>
    %add3A_183 = arith.addf %dot_general3A_181, %add3A_182 : vector<1024x128xf32>
    %max3A_184 = arith.constant 0.000000e+00 : f32
    %max3A_185 = vector.broadcast %max3A_184 : f32 to vector<1024x128xf32>
    %max3A_186 = arith.maximumf %add3A_183, %max3A_185 : vector<1024x128xf32>
    %convert_element_type3A_187 = arith.truncf %max3A_159 : vector<1024x128xf32> to vector<1024x128xbf16>
    %convert_element_type3A_188 = arith.truncf %get3A_104 : vector<128x128xf32> to vector<128x128xbf16>
    %dot_general3A_189 = arith.constant dense<0.000000e+00> : vector<1024x128xf32>
    %dot_general3A_190 = tpu.matmul %convert_element_type3A_187, %convert_element_type3A_188, %dot_general3A_189 {dimension_numbers = #tpu.dot_dimension_numbers<[1], [1], [0], [0], [0, 0, 1, 0], [], []>, transpose_lhs_hint = false} : vector<1024x128xbf16>, vector<128x128xbf16>, vector<1024x128xf32> -> vector<1024x128xf32>
    %add3A_191 = vector.broadcast %get3A_113 : vector<1x128xf32> to vector<1024x128xf32>
    %add3A_192 = arith.addf %dot_general3A_190, %add3A_191 : vector<1024x128xf32>
    %max3A_193 = arith.constant 0.000000e+00 : f32
    %max3A_194 = vector.broadcast %max3A_193 : f32 to vector<1024x128xf32>
    %max3A_195 = arith.maximumf %add3A_192, %max3A_194 : vector<1024x128xf32>
    %slice3A_196 = vector.extract_strided_slice %get3A_91 {offsets = [0, 0], sizes = [128, 128], strides = [1, 1]} : vector<128x256xf32> to vector<128x128xf32>
    %convert_element_type3A_197 = arith.truncf %max3A_168 : vector<1024x128xf32> to vector<1024x128xbf16>
    %convert_element_type3A_198 = arith.truncf %slice3A_196 : vector<128x128xf32> to vector<128x128xbf16>
    %dot_general3A_199 = arith.constant dense<0.000000e+00> : vector<1024x128xf32>
    %dot_general3A_200 = tpu.matmul %convert_element_type3A_197, %convert_element_type3A_198, %dot_general3A_199 {dimension_numbers = #tpu.dot_dimension_numbers<[1], [1], [0], [0], [0, 0, 1, 0], [], []>, transpose_lhs_hint = false} : vector<1024x128xbf16>, vector<128x128xbf16>, vector<1024x128xf32> -> vector<1024x128xf32>
    %slice3A_201 = vector.extract_strided_slice %dot_general3A_101 {offsets = [0, 0], sizes = [1024, 128], strides = [1, 1]} : vector<4096x128xf32> to vector<1024x128xf32>
    %add3A_202 = arith.addf %dot_general3A_200, %slice3A_201 : vector<1024x128xf32>
    %max3A_203 = arith.constant 0.000000e+00 : f32
    %max3A_204 = vector.broadcast %max3A_203 : f32 to vector<1024x128xf32>
    %max3A_205 = arith.maximumf %add3A_202, %max3A_204 : vector<1024x128xf32>
    %slice3A_206 = vector.extract_strided_slice %get3A_91 {offsets = [0, 0], sizes = [128, 128], strides = [1, 1]} : vector<128x256xf32> to vector<128x128xf32>
    %convert_element_type3A_207 = arith.truncf %max3A_177 : vector<1024x128xf32> to vector<1024x128xbf16>
    %convert_element_type3A_208 = arith.truncf %slice3A_206 : vector<128x128xf32> to vector<128x128xbf16>
    %dot_general3A_209 = arith.constant dense<0.000000e+00> : vector<1024x128xf32>
    %dot_general3A_210 = tpu.matmul %convert_element_type3A_207, %convert_element_type3A_208, %dot_general3A_209 {dimension_numbers = #tpu.dot_dimension_numbers<[1], [1], [0], [0], [0, 0, 1, 0], [], []>, transpose_lhs_hint = false} : vector<1024x128xbf16>, vector<128x128xbf16>, vector<1024x128xf32> -> vector<1024x128xf32>
    %slice3A_211 = vector.extract_strided_slice %dot_general3A_101 {offsets = [1024, 0], sizes = [1024, 128], strides = [1, 1]} : vector<4096x128xf32> to vector<1024x128xf32>
    %add3A_212 = arith.addf %dot_general3A_210, %slice3A_211 : vector<1024x128xf32>
    %max3A_213 = arith.constant 0.000000e+00 : f32
    %max3A_214 = vector.broadcast %max3A_213 : f32 to vector<1024x128xf32>
    %max3A_215 = arith.maximumf %add3A_212, %max3A_214 : vector<1024x128xf32>
    %slice3A_216 = vector.extract_strided_slice %get3A_91 {offsets = [0, 0], sizes = [128, 128], strides = [1, 1]} : vector<128x256xf32> to vector<128x128xf32>
    %convert_element_type3A_217 = arith.truncf %max3A_186 : vector<1024x128xf32> to vector<1024x128xbf16>
    %convert_element_type3A_218 = arith.truncf %slice3A_216 : vector<128x128xf32> to vector<128x128xbf16>
    %dot_general3A_219 = arith.constant dense<0.000000e+00> : vector<1024x128xf32>
    %dot_general3A_220 = tpu.matmul %convert_element_type3A_217, %convert_element_type3A_218, %dot_general3A_219 {dimension_numbers = #tpu.dot_dimension_numbers<[1], [1], [0], [0], [0, 0, 1, 0], [], []>, transpose_lhs_hint = false} : vector<1024x128xbf16>, vector<128x128xbf16>, vector<1024x128xf32> -> vector<1024x128xf32>
    %slice3A_221 = vector.extract_strided_slice %dot_general3A_101 {offsets = [2048, 0], sizes = [1024, 128], strides = [1, 1]} : vector<4096x128xf32> to vector<1024x128xf32>
    %add3A_222 = arith.addf %dot_general3A_220, %slice3A_221 : vector<1024x128xf32>
    %max3A_223 = arith.constant 0.000000e+00 : f32
    %max3A_224 = vector.broadcast %max3A_223 : f32 to vector<1024x128xf32>
    %max3A_225 = arith.maximumf %add3A_222, %max3A_224 : vector<1024x128xf32>
    %slice3A_226 = vector.extract_strided_slice %get3A_91 {offsets = [0, 0], sizes = [128, 128], strides = [1, 1]} : vector<128x256xf32> to vector<128x128xf32>
    %convert_element_type3A_227 = arith.truncf %max3A_195 : vector<1024x128xf32> to vector<1024x128xbf16>
    %convert_element_type3A_228 = arith.truncf %slice3A_226 : vector<128x128xf32> to vector<128x128xbf16>
    %dot_general3A_229 = arith.constant dense<0.000000e+00> : vector<1024x128xf32>
    %dot_general3A_230 = tpu.matmul %convert_element_type3A_227, %convert_element_type3A_228, %dot_general3A_229 {dimension_numbers = #tpu.dot_dimension_numbers<[1], [1], [0], [0], [0, 0, 1, 0], [], []>, transpose_lhs_hint = false} : vector<1024x128xbf16>, vector<128x128xbf16>, vector<1024x128xf32> -> vector<1024x128xf32>
    %slice3A_231 = vector.extract_strided_slice %dot_general3A_101 {offsets = [3072, 0], sizes = [1024, 128], strides = [1, 1]} : vector<4096x128xf32> to vector<1024x128xf32>
    %add3A_232 = arith.addf %dot_general3A_230, %slice3A_231 : vector<1024x128xf32>
    %max3A_233 = arith.constant 0.000000e+00 : f32
    %max3A_234 = vector.broadcast %max3A_233 : f32 to vector<1024x128xf32>
    %max3A_235 = arith.maximumf %add3A_232, %max3A_234 : vector<1024x128xf32>
    %convert_element_type3A_236 = arith.truncf %max3A_205 : vector<1024x128xf32> to vector<1024x128xbf16>
    %convert_element_type3A_237 = arith.truncf %get3A_107 : vector<128x128xf32> to vector<128x128xbf16>
    %dot_general3A_238 = arith.constant dense<0.000000e+00> : vector<1024x128xf32>
    %dot_general3A_239 = tpu.matmul %convert_element_type3A_236, %convert_element_type3A_237, %dot_general3A_238 {dimension_numbers = #tpu.dot_dimension_numbers<[1], [1], [0], [0], [0, 0, 1, 0], [], []>, transpose_lhs_hint = false} : vector<1024x128xbf16>, vector<128x128xbf16>, vector<1024x128xf32> -> vector<1024x128xf32>
    %add3A_240 = vector.broadcast %get3A_116 : vector<1x128xf32> to vector<1024x128xf32>
    %add3A_241 = arith.addf %dot_general3A_239, %add3A_240 : vector<1024x128xf32>
    %max3A_242 = arith.constant 0.000000e+00 : f32
    %max3A_243 = vector.broadcast %max3A_242 : f32 to vector<1024x128xf32>
    %max3A_244 = arith.maximumf %add3A_241, %max3A_243 : vector<1024x128xf32>
    %convert_element_type3A_245 = arith.truncf %max3A_215 : vector<1024x128xf32> to vector<1024x128xbf16>
    %convert_element_type3A_246 = arith.truncf %get3A_107 : vector<128x128xf32> to vector<128x128xbf16>
    %dot_general3A_247 = arith.constant dense<0.000000e+00> : vector<1024x128xf32>
    %dot_general3A_248 = tpu.matmul %convert_element_type3A_245, %convert_element_type3A_246, %dot_general3A_247 {dimension_numbers = #tpu.dot_dimension_numbers<[1], [1], [0], [0], [0, 0, 1, 0], [], []>, transpose_lhs_hint = false} : vector<1024x128xbf16>, vector<128x128xbf16>, vector<1024x128xf32> -> vector<1024x128xf32>
    %add3A_249 = vector.broadcast %get3A_116 : vector<1x128xf32> to vector<1024x128xf32>
    %add3A_250 = arith.addf %dot_general3A_248, %add3A_249 : vector<1024x128xf32>
    %max3A_251 = arith.constant 0.000000e+00 : f32
    %max3A_252 = vector.broadcast %max3A_251 : f32 to vector<1024x128xf32>
    %max3A_253 = arith.maximumf %add3A_250, %max3A_252 : vector<1024x128xf32>
    %convert_element_type3A_254 = arith.truncf %max3A_225 : vector<1024x128xf32> to vector<1024x128xbf16>
    %convert_element_type3A_255 = arith.truncf %get3A_107 : vector<128x128xf32> to vector<128x128xbf16>
    %dot_general3A_256 = arith.constant dense<0.000000e+00> : vector<1024x128xf32>
    %dot_general3A_257 = tpu.matmul %convert_element_type3A_254, %convert_element_type3A_255, %dot_general3A_256 {dimension_numbers = #tpu.dot_dimension_numbers<[1], [1], [0], [0], [0, 0, 1, 0], [], []>, transpose_lhs_hint = false} : vector<1024x128xbf16>, vector<128x128xbf16>, vector<1024x128xf32> -> vector<1024x128xf32>
    %add3A_258 = vector.broadcast %get3A_116 : vector<1x128xf32> to vector<1024x128xf32>
    %add3A_259 = arith.addf %dot_general3A_257, %add3A_258 : vector<1024x128xf32>
    %max3A_260 = arith.constant 0.000000e+00 : f32
    %max3A_261 = vector.broadcast %max3A_260 : f32 to vector<1024x128xf32>
    %max3A_262 = arith.maximumf %add3A_259, %max3A_261 : vector<1024x128xf32>
    %convert_element_type3A_263 = arith.truncf %max3A_235 : vector<1024x128xf32> to vector<1024x128xbf16>
    %convert_element_type3A_264 = arith.truncf %get3A_107 : vector<128x128xf32> to vector<128x128xbf16>
    %dot_general3A_265 = arith.constant dense<0.000000e+00> : vector<1024x128xf32>
    %dot_general3A_266 = tpu.matmul %convert_element_type3A_263, %convert_element_type3A_264, %dot_general3A_265 {dimension_numbers = #tpu.dot_dimension_numbers<[1], [1], [0], [0], [0, 0, 1, 0], [], []>, transpose_lhs_hint = false} : vector<1024x128xbf16>, vector<128x128xbf16>, vector<1024x128xf32> -> vector<1024x128xf32>
    %add3A_267 = vector.broadcast %get3A_116 : vector<1x128xf32> to vector<1024x128xf32>
    %add3A_268 = arith.addf %dot_general3A_266, %add3A_267 : vector<1024x128xf32>
    %max3A_269 = arith.constant 0.000000e+00 : f32
    %max3A_270 = vector.broadcast %max3A_269 : f32 to vector<1024x128xf32>
    %max3A_271 = arith.maximumf %add3A_268, %max3A_270 : vector<1024x128xf32>
    %convert_element_type3A_272 = arith.truncf %get3A_110 : vector<1x128xf32> to vector<1x128xbf16>
    %convert_element_type3A_273 = arith.truncf %max3A_244 : vector<1024x128xf32> to vector<1024x128xbf16>
    %dot_general3A_274 = arith.constant dense<0.000000e+00> : vector<1x1024xf32>
    %dot_general3A_275 = tpu.matmul %convert_element_type3A_272, %convert_element_type3A_273, %dot_general3A_274 {dimension_numbers = #tpu.dot_dimension_numbers<[1], [1], [0], [0], [0, 0, 1, 0], [], []>, transpose_lhs_hint = false} : vector<1x128xbf16>, vector<1024x128xbf16>, vector<1x1024xf32> -> vector<1x1024xf32>
    %convert_element_type3A_276 = arith.truncf %get3A_110 : vector<1x128xf32> to vector<1x128xbf16>
    %convert_element_type3A_277 = arith.truncf %max3A_253 : vector<1024x128xf32> to vector<1024x128xbf16>
    %dot_general3A_278 = arith.constant dense<0.000000e+00> : vector<1x1024xf32>
    %dot_general3A_279 = tpu.matmul %convert_element_type3A_276, %convert_element_type3A_277, %dot_general3A_278 {dimension_numbers = #tpu.dot_dimension_numbers<[1], [1], [0], [0], [0, 0, 1, 0], [], []>, transpose_lhs_hint = false} : vector<1x128xbf16>, vector<1024x128xbf16>, vector<1x1024xf32> -> vector<1x1024xf32>
    %convert_element_type3A_280 = arith.truncf %get3A_110 : vector<1x128xf32> to vector<1x128xbf16>
    %convert_element_type3A_281 = arith.truncf %max3A_262 : vector<1024x128xf32> to vector<1024x128xbf16>
    %dot_general3A_282 = arith.constant dense<0.000000e+00> : vector<1x1024xf32>
    %dot_general3A_283 = tpu.matmul %convert_element_type3A_280, %convert_element_type3A_281, %dot_general3A_282 {dimension_numbers = #tpu.dot_dimension_numbers<[1], [1], [0], [0], [0, 0, 1, 0], [], []>, transpose_lhs_hint = false} : vector<1x128xbf16>, vector<1024x128xbf16>, vector<1x1024xf32> -> vector<1x1024xf32>
    %convert_element_type3A_284 = arith.truncf %get3A_110 : vector<1x128xf32> to vector<1x128xbf16>
    %convert_element_type3A_285 = arith.truncf %max3A_271 : vector<1024x128xf32> to vector<1024x128xbf16>
    %dot_general3A_286 = arith.constant dense<0.000000e+00> : vector<1x1024xf32>
    %dot_general3A_287 = tpu.matmul %convert_element_type3A_284, %convert_element_type3A_285, %dot_general3A_286 {dimension_numbers = #tpu.dot_dimension_numbers<[1], [1], [0], [0], [0, 0, 1, 0], [], []>, transpose_lhs_hint = false} : vector<1x128xbf16>, vector<1024x128xbf16>, vector<1x1024xf32> -> vector<1x1024xf32>
    %concatenate3A = tpu.concatenate %dot_general3A_275, %dot_general3A_279, %dot_general3A_283, %dot_general3A_287 in 1 : vector<1x1024xf32>, vector<1x1024xf32>, vector<1x1024xf32>, vector<1x1024xf32> -> vector<1x4096xf32>
    %get3A_288 = arith.constant 0 : index
    %get3A_289 = arith.constant 0 : index
    %get3A_290 = vector.load %arg15[%get3A_288, %get3A_289] : memref<1x1xf32, #tpu.memory_space<vmem>>, vector<1x1xf32>
    %get3A_291 = vector.extract %get3A_290[0, 0] : f32 from vector<1x1xf32>
    %add3A_292 = vector.broadcast %get3A_291 : f32 to vector<1x4096xf32>
    %add3A_293 = arith.addf %concatenate3A, %add3A_292 : vector<1x4096xf32>
    %swap3A_294 = arith.constant 0 : index
    %swap3A_295 = arith.constant 0 : index
    %swap3A_296 = vector.load %arg26[%swap3A_294, %swap3A_295] : memref<1x4096xf32, #tpu.memory_space<vmem>>, vector<1x4096xf32>
    tpu.vector_store %arg26[%swap3A_294, %swap3A_295], %add3A_293 {strides = array<i32>} : memref<1x4096xf32, #tpu.memory_space<vmem>>, vector<1x4096xf32>,
    %concatenate3A_297 = tpu.concatenate %max3A_168, %max3A_177, %max3A_186, %max3A_195 in 0 : vector<1024x128xf32>, vector<1024x128xf32>, vector<1024x128xf32>, vector<1024x128xf32> -> vector<4096x128xf32>
    %swap3A_298 = arith.constant 0 : index
    %swap3A_299 = arith.constant 0 : index
    %swap3A_300 = vector.load %arg27[%swap3A_298, %swap3A_299] : memref<4096x128xf32, #tpu.memory_space<vmem>>, vector<4096x128xf32>
    tpu.vector_store %arg27[%swap3A_298, %swap3A_299], %concatenate3A_297 {strides = array<i32>} : memref<4096x128xf32, #tpu.memory_space<vmem>>, vector<4096x128xf32>,
    %eq3A_301 = arith.constant 1 : i32
    %eq3A_302 = arith.cmpi eq, %arg0, %eq3A_301 : i32
    %convert_element_type3A_303 = arith.extui %eq3A_302 : i1 to i32
    %cond3A_304 = arith.constant 0 : i32
    %cond3A_305 = arith.cmpi ne, %convert_element_type3A_303, %cond3A_304 : i32
    scf.if %cond3A_305 {
      %get3A_306 = arith.constant 0 : index
      %get3A_307 = arith.constant 0 : index
      %get3A_308 = arith.constant 0 : index
      %get3A_309 = vector.load %arg2[%get3A_306, %get3A_307, %get3A_308] : memref<1x1x4096xi32, #tpu.memory_space<vmem>>, vector<1x1x4096xi32>
      %reshape3A_310 = vector.shape_cast %get3A_309 : vector<1x1x4096xi32> to vector<1x4096xi32>
      %iota3A_311 = tpu.iota {dimensions = array<i32: 0>} : vector<16x4096xi32>
      %eq3A_312 = vector.broadcast %reshape3A_310 : vector<1x4096xi32> to vector<16x4096xi32>
      %eq3A_313 = arith.cmpi eq, %eq3A_312, %iota3A_311 : vector<16x4096xi32>
      %convert_element_type3A_314 = arith.extui %eq3A_313 : vector<16x4096xi1> to vector<16x4096xi32>
      %convert_element_type3A_315 = arith.sitofp %convert_element_type3A_314 : vector<16x4096xi32> to vector<16x4096xf32>
      %get3A_316 = arith.constant 0 : index
      %get3A_317 = arith.constant 0 : index
      %get3A_318 = vector.load %arg26[%get3A_316, %get3A_317] : memref<1x4096xf32, #tpu.memory_space<vmem>>, vector<1x4096xf32>
      %gt3A_319 = arith.constant 0.000000e+00 : f32
      %gt3A_320 = vector.broadcast %gt3A_319 : f32 to vector<16x4096xf32>
      %gt3A_321 = arith.cmpf ogt, %convert_element_type3A_315, %gt3A_320 : vector<16x4096xf32>
      %jit3A_322 = arith.constant -1.000000e+30 : f32
      %broadcast_in_dim3A_323 = vector.shape_cast %get3A_318 : vector<1x4096xf32> to vector<1x4096xf32>
      %broadcast_in_dim3A_324 = vector.broadcast %broadcast_in_dim3A_323 : vector<1x4096xf32> to vector<16x4096xf32>
      %broadcast_in_dim3A_325 = vector.broadcast %jit3A_322 : f32 to vector<16x4096xf32>
      %select_n3A_326 = arith.select %gt3A_321, %broadcast_in_dim3A_324, %broadcast_in_dim3A_325 : vector<16x4096xi1>, vector<16x4096xf32>
      %get3A_327 = arith.constant 0 : index
      %get3A_328 = arith.constant 0 : index
      %get3A_329 = vector.load %arg21[%get3A_327, %get3A_328] : memref<16x1xf32, #tpu.memory_space<vmem>>, vector<16x1xf32>
      %reduce_max3A_330 = arith.constant dense<0xFF800000> : vector<16xf32>
      %reduce_max3A_331 = vector.multi_reduction <maximumf>, %select_n3A_326, %reduce_max3A_330 [1] : vector<16x4096xf32> to vector<16xf32>
      %broadcast_in_dim3A_332 = vector.shape_cast %reduce_max3A_331 : vector<16xf32> to vector<16x1xf32>
      %max3A_333 = arith.maximumf %get3A_329, %broadcast_in_dim3A_332 : vector<16x1xf32>
      %max3A_334 = arith.constant -1.000000e+20 : f32
      %max3A_335 = vector.broadcast %max3A_334 : f32 to vector<16x1xf32>
      %max3A_336 = arith.maximumf %max3A_333, %max3A_335 : vector<16x1xf32>
      %sub3A_337 = arith.subf %get3A_329, %max3A_336 : vector<16x1xf32>
      %exp3A_338 = math.exp %sub3A_337 : vector<16x1xf32>
      %dot_general3A_339 = arith.constant dense<0.000000e+00> : vector<1x4096xf32>
      %dot_general3A_340 = tpu.matmul %max3A_336, %convert_element_type3A_315, %dot_general3A_339 {dimension_numbers = #tpu.dot_dimension_numbers<[0], [0], [1], [1], [0, 1, 1, 1], [], []>, transpose_lhs_hint = false} : vector<16x1xf32>, vector<16x4096xf32>, vector<1x4096xf32> -> vector<1x4096xf32>
      %sub3A_341 = arith.subf %get3A_318, %dot_general3A_340 : vector<1x4096xf32>
      %exp3A_342 = math.exp %sub3A_341 : vector<1x4096xf32>
      %mul3A_343 = vector.broadcast %exp3A_342 : vector<1x4096xf32> to vector<16x4096xf32>
      %mul3A_344 = arith.mulf %convert_element_type3A_315, %mul3A_343 : vector<16x4096xf32>
      %dot_general3A_345 = arith.constant dense<0.000000e+00> : vector<16x1xf32>
      %dot_general3A_346 = tpu.matmul %convert_element_type3A_315, %exp3A_342, %dot_general3A_345 {dimension_numbers = #tpu.dot_dimension_numbers<[1], [1], [0], [0], [0, 0, 1, 0], [], []>, transpose_lhs_hint = false} : vector<16x4096xf32>, vector<1x4096xf32>, vector<16x1xf32> -> vector<16x1xf32>
      %get3A_347 = arith.constant 0 : index
      %get3A_348 = arith.constant 0 : index
      %get3A_349 = vector.load %arg22[%get3A_347, %get3A_348] : memref<16x1xf32, #tpu.memory_space<vmem>>, vector<16x1xf32>
      %mul3A_350 = arith.mulf %get3A_349, %exp3A_338 : vector<16x1xf32>
      %add3A_351 = arith.addf %mul3A_350, %dot_general3A_346 : vector<16x1xf32>
      %swap3A_352 = arith.constant 0 : index
      %swap3A_353 = arith.constant 0 : index
      %swap3A_354 = vector.load %arg22[%swap3A_352, %swap3A_353] : memref<16x1xf32, #tpu.memory_space<vmem>>, vector<16x1xf32>
      tpu.vector_store %arg22[%swap3A_352, %swap3A_353], %add3A_351 {strides = array<i32>} : memref<16x1xf32, #tpu.memory_space<vmem>>, vector<16x1xf32>,
      %swap3A_355 = arith.constant 0 : index
      %swap3A_356 = arith.constant 0 : index
      %swap3A_357 = vector.load %arg21[%swap3A_355, %swap3A_356] : memref<16x1xf32, #tpu.memory_space<vmem>>, vector<16x1xf32>
      tpu.vector_store %arg21[%swap3A_355, %swap3A_356], %max3A_333 {strides = array<i32>} : memref<16x1xf32, #tpu.memory_space<vmem>>, vector<16x1xf32>,
      %iota3A_358 = tpu.iota {dimensions = array<i32: 0>} : vector<16x16xi32>
      %iota3A_359 = tpu.iota {dimensions = array<i32: 1>} : vector<16x16xi32>
      %eq3A_360 = arith.cmpi eq, %iota3A_358, %iota3A_359 : vector<16x16xi32>
      %broadcast_in_dim3A_361 = arith.constant 1.000000e+00 : f32
      %broadcast_in_dim3A_362 = vector.broadcast %broadcast_in_dim3A_361 : f32 to vector<1x16xf32>
      %dot_general3A_363 = arith.constant dense<0.000000e+00> : vector<16x16xf32>
      %dot_general3A_364 = tpu.matmul %exp3A_338, %broadcast_in_dim3A_362, %dot_general3A_363 {dimension_numbers = #tpu.dot_dimension_numbers<[1], [0], [0], [1], [0, 0, 1, 1], [], []>, transpose_lhs_hint = false} : vector<16x1xf32>, vector<1x16xf32>, vector<16x16xf32> -> vector<16x16xf32>
      %jit3A_365 = arith.constant 0.000000e+00 : f32
      %broadcast_in_dim3A_366 = vector.broadcast %jit3A_365 : f32 to vector<16x16xf32>
      %select_n3A_367 = arith.select %eq3A_360, %dot_general3A_364, %broadcast_in_dim3A_366 : vector<16x16xi1>, vector<16x16xf32>
      %get3A_368 = arith.constant 0 : index
      %get3A_369 = arith.constant 0 : index
      %get3A_370 = vector.load %arg23[%get3A_368, %get3A_369] : memref<16x128xf32, #tpu.memory_space<vmem>>, vector<16x128xf32>
      %dot_general3A_371 = arith.constant dense<0.000000e+00> : vector<16x128xf32>
      %dot_general3A_372 = tpu.matmul %select_n3A_367, %get3A_370, %dot_general3A_371 {dimension_numbers = #tpu.dot_dimension_numbers<[1], [0], [0], [1], [0, 0, 1, 1], [], []>, transpose_lhs_hint = false} : vector<16x16xf32>, vector<16x128xf32>, vector<16x128xf32> -> vector<16x128xf32>
      %get3A_373 = arith.constant 0 : index
      %get3A_374 = arith.constant 0 : index
      %get3A_375 = vector.load %arg27[%get3A_373, %get3A_374] : memref<4096x128xf32, #tpu.memory_space<vmem>>, vector<4096x128xf32>
      %dot_general3A_376 = arith.constant dense<0.000000e+00> : vector<16x128xf32>
      %dot_general3A_377 = tpu.matmul %mul3A_344, %get3A_375, %dot_general3A_376 {dimension_numbers = #tpu.dot_dimension_numbers<[1], [0], [0], [1], [0, 0, 1, 1], [], []>, transpose_lhs_hint = false} : vector<16x4096xf32>, vector<4096x128xf32>, vector<16x128xf32> -> vector<16x128xf32>
      %add3A_378 = arith.addf %dot_general3A_372, %dot_general3A_377 : vector<16x128xf32>
      %swap3A_379 = arith.constant 0 : index
      %swap3A_380 = arith.constant 0 : index
      %swap3A_381 = vector.load %arg23[%swap3A_379, %swap3A_380] : memref<16x128xf32, #tpu.memory_space<vmem>>, vector<16x128xf32>
      tpu.vector_store %arg23[%swap3A_379, %swap3A_380], %add3A_378 {strides = array<i32>} : memref<16x128xf32, #tpu.memory_space<vmem>>, vector<16x128xf32>,
      %iota3A_382 = tpu.iota {dimensions = array<i32: 0>} : vector<16x16xi32>
      %iota3A_383 = tpu.iota {dimensions = array<i32: 1>} : vector<16x16xi32>
      %eq3A_384 = arith.cmpi eq, %iota3A_382, %iota3A_383 : vector<16x16xi32>
      %get3A_385 = arith.constant 0 : index
      %get3A_386 = arith.constant 0 : index
      %get3A_387 = vector.load %arg22[%get3A_385, %get3A_386] : memref<16x1xf32, #tpu.memory_space<vmem>>, vector<16x1xf32>
      %max3A_388 = arith.constant 1.000000e-30 : f32
      %max3A_389 = vector.broadcast %max3A_388 : f32 to vector<16x1xf32>
      %max3A_390 = arith.maximumf %get3A_387, %max3A_389 : vector<16x1xf32>
      %div3A = arith.constant 1.000000e+00 : f32
      %div3A_391 = vector.broadcast %div3A : f32 to vector<16x1xf32>
      %div3A_392 = arith.divf %div3A_391, %max3A_390 : vector<16x1xf32>
      %broadcast_in_dim3A_393 = arith.constant 1.000000e+00 : f32
      %broadcast_in_dim3A_394 = vector.broadcast %broadcast_in_dim3A_393 : f32 to vector<1x16xf32>
      %dot_general3A_395 = arith.constant dense<0.000000e+00> : vector<16x16xf32>
      %dot_general3A_396 = tpu.matmul %div3A_392, %broadcast_in_dim3A_394, %dot_general3A_395 {dimension_numbers = #tpu.dot_dimension_numbers<[1], [0], [0], [1], [0, 0, 1, 1], [], []>, transpose_lhs_hint = false} : vector<16x1xf32>, vector<1x16xf32>, vector<16x16xf32> -> vector<16x16xf32>
      %jit3A_397 = arith.constant 0.000000e+00 : f32
      %broadcast_in_dim3A_398 = vector.broadcast %jit3A_397 : f32 to vector<16x16xf32>
      %select_n3A_399 = arith.select %eq3A_384, %dot_general3A_396, %broadcast_in_dim3A_398 : vector<16x16xi1>, vector<16x16xf32>
      %get3A_400 = arith.constant 0 : index
      %get3A_401 = arith.constant 0 : index
      %get3A_402 = vector.load %arg23[%get3A_400, %get3A_401] : memref<16x128xf32, #tpu.memory_space<vmem>>, vector<16x128xf32>
      %dot_general3A_403 = arith.constant dense<0.000000e+00> : vector<16x128xf32>
      %dot_general3A_404 = tpu.matmul %select_n3A_399, %get3A_402, %dot_general3A_403 {dimension_numbers = #tpu.dot_dimension_numbers<[1], [0], [0], [1], [0, 0, 1, 1], [], []>, transpose_lhs_hint = false} : vector<16x16xf32>, vector<16x128xf32>, vector<16x128xf32> -> vector<16x128xf32>
      %swap3A_405 = arith.constant 0 : index
      %swap3A_406 = arith.constant 0 : index
      %swap3A_407 = vector.load %arg20[%swap3A_405, %swap3A_406] : memref<16x128xf32, #tpu.memory_space<vmem>>, vector<16x128xf32>
      tpu.vector_store %arg20[%swap3A_405, %swap3A_406], %dot_general3A_404 {strides = array<i32>} : memref<16x128xf32, #tpu.memory_space<vmem>>, vector<16x128xf32>,
    } else {
    }
    return
  }
  func.func @transform_0(%arg0: i32) -> (i32, i32) {
    %c0_i32 = arith.constant 0 : i32
    %c0_i32_0 = arith.constant 0 : i32
    return %arg0, %c0_i32 : i32, i32
  }
  func.func @transform_1(%arg0: i32) -> (i32, i32, i32) {
    %add3A = arith.constant 2 : i32
    %add3A_0 = arith.addi %arg0, %add3A : i32
    %c0_i32 = arith.constant 0 : i32
    %c0_i32_1 = arith.constant 0 : i32
    %c0_i32_2 = arith.constant 0 : i32
    return %add3A_0, %c0_i32, %c0_i32_1 : i32, i32, i32
  }
  func.func @transform_2(%arg0: i32) -> (i32, i32, i32) {
    %add3A = arith.constant 2 : i32
    %add3A_0 = arith.addi %arg0, %add3A : i32
    %c0_i32 = arith.constant 0 : i32
    %c0_i32_1 = arith.constant 0 : i32
    %c0_i32_2 = arith.constant 0 : i32
    return %add3A_0, %c0_i32, %c0_i32_1 : i32, i32, i32
  }
  func.func @transform_3(%arg0: i32) -> (i32, i32, i32) {
    %sub3A = arith.constant 1 : i32
    %sub3A_0 = arith.subi %arg0, %sub3A : i32
    %max3A = arith.constant 0 : i32
    %max3A_1 = arith.maxsi %sub3A_0, %max3A : i32
    %add3A = arith.constant 2 : i32
    %add3A_2 = arith.addi %max3A_1, %add3A : i32
    %c0_i32 = arith.constant 0 : i32
    %c0_i32_3 = arith.constant 0 : i32
    %c0_i32_4 = arith.constant 0 : i32
    return %add3A_2, %c0_i32, %c0_i32_3 : i32, i32, i32
  }
  func.func @transform_4(%arg0: i32) -> (i32, i32) {
    %c0_i32 = arith.constant 0 : i32
    %c0_i32_0 = arith.constant 0 : i32
    %c0_i32_1 = arith.constant 0 : i32
    return %c0_i32, %c0_i32_0 : i32, i32
  }
  func.func @transform_5(%arg0: i32) -> (i32, i32) {
    %c0_i32 = arith.constant 0 : i32
    %c0_i32_0 = arith.constant 0 : i32
    %c0_i32_1 = arith.constant 0 : i32
    return %c0_i32, %c0_i32_0 : i32, i32
  }
  func.func @transform_6(%arg0: i32) -> (i32, i32) {
    %c0_i32 = arith.constant 0 : i32
    %c0_i32_0 = arith.constant 0 : i32
    %c0_i32_1 = arith.constant 0 : i32
    return %c0_i32, %c0_i32_0 : i32, i32
  }
  func.func @transform_7(%arg0: i32) -> (i32, i32) {
    %c0_i32 = arith.constant 0 : i32
    %c0_i32_0 = arith.constant 0 : i32
    %c0_i32_1 = arith.constant 0 : i32
    return %c0_i32, %c0_i32_0 : i32, i32
  }
  func.func @transform_8(%arg0: i32) -> (i32, i32) {
    %c0_i32 = arith.constant 0 : i32
    %c0_i32_0 = arith.constant 0 : i32
    %c0_i32_1 = arith.constant 0 : i32
    return %c0_i32, %c0_i32_0 : i32, i32
  }
  func.func @transform_9(%arg0: i32) -> (i32, i32) {
    %c0_i32 = arith.constant 0 : i32
    %c0_i32_0 = arith.constant 0 : i32
    %c0_i32_1 = arith.constant 0 : i32
    return %c0_i32, %c0_i32_0 : i32, i32
  }
  func.func @transform_10(%arg0: i32) -> (i32, i32) {
    %c0_i32 = arith.constant 0 : i32
    %c0_i32_0 = arith.constant 0 : i32
    %c0_i32_1 = arith.constant 0 : i32
    return %c0_i32, %c0_i32_0 : i32, i32
  }
  func.func @transform_11(%arg0: i32) -> (i32, i32) {
    %c0_i32 = arith.constant 0 : i32
    %c0_i32_0 = arith.constant 0 : i32
    %c0_i32_1 = arith.constant 0 : i32
    return %c0_i32, %c0_i32_0 : i32, i32
  }
  func.func @transform_12(%arg0: i32) -> (i32, i32) {
    %c0_i32 = arith.constant 0 : i32
    %c0_i32_0 = arith.constant 0 : i32
    %c0_i32_1 = arith.constant 0 : i32
    return %c0_i32, %c0_i32_0 : i32, i32
  }
  func.func @transform_13(%arg0: i32) -> (i32, i32) {
    %c0_i32 = arith.constant 0 : i32
    %c0_i32_0 = arith.constant 0 : i32
    %c0_i32_1 = arith.constant 0 : i32
    return %c0_i32, %c0_i32_0 : i32, i32
  }
  func.func @transform_14(%arg0: i32) -> (i32, i32) {
    %c0_i32 = arith.constant 0 : i32
    %c0_i32_0 = arith.constant 0 : i32
    %c0_i32_1 = arith.constant 0 : i32
    return %c0_i32, %c0_i32_0 : i32, i32
  }
  func.func @transform_15(%arg0: i32) -> (i32, i32) {
    %c0_i32 = arith.constant 0 : i32
    %c0_i32_0 = arith.constant 0 : i32
    %c0_i32_1 = arith.constant 0 : i32
    return %c0_i32, %c0_i32_0 : i32, i32
  }
  func.func @transform_16(%arg0: i32) -> (i32, i32) {
    %c0_i32 = arith.constant 0 : i32
    %c0_i32_0 = arith.constant 0 : i32
    %c0_i32_1 = arith.constant 0 : i32
    return %c0_i32, %c0_i32_0 : i32, i32
  }
  func.func @transform_17(%arg0: i32) -> (i32, i32) {
    %c0_i32 = arith.constant 0 : i32
    %c0_i32_0 = arith.constant 0 : i32
    %c0_i32_1 = arith.constant 0 : i32
    return %c0_i32, %c0_i32_0 : i32, i32
  }
  func.func @transform_18(%arg0: i32) -> (i32, i32) {
    %c0_i32 = arith.constant 0 : i32
    %c0_i32_0 = arith.constant 0 : i32
    %c0_i32_1 = arith.constant 0 : i32
    return %c0_i32, %c0_i32_0 : i32, i32
  }
  func.func @transform_19(%arg0: i32) -> (i32, i32) {
    %c0_i32 = arith.constant 0 : i32
    %c0_i32_0 = arith.constant 0 : i32
    %c0_i32_1 = arith.constant 0 : i32
    return %c0_i32, %c0_i32_0 : i32, i32
  }
}

</mosaic_0001>

<sc_bundles>
// kernel: kernel.6.cloned.1.call-start
scs
__scs_entry_jumppad:
0x0: {  	(pc) =	sbr.rel $0x88, $3  }
0x1: {  	(tag) =	ssettag $0x0;
	lr =	simm.s32 $0x1  }
0x2: {  	[smem:$0x3F90] =	sst lr;
	_ =	strace $0xD0000000  }
0x3: {  	_ = 	snop  }
0x4: {  	_ = 	snop  }
0x5: {  	_ = 	snop  }
0x6: {  	_ = 	snop  }
0x7: {  	_ = 	snop  }
__scs_overlays_trampoline_lowered:
0x8: {  	[smem:$0x3F9F] =	sst s0  }
0x9: {  	[smem:$0x3FA0] =	sst s1  }
0xa: {  	[smem:$0x3FA1] =	sst s2  }
0xb: {  	[smem:$0x3FA2] =	sst s3  }
0xc: {  	[smem:$0x3FA3] =	sst s4  }
0xd: {  	[smem:$0x3FA4] =	sst s5  }
0xe: {  	[smem:$0x3FA5] =	sst s6  }
0xf: {  	[smem:$0x3FA6] =	sst s7  }
0x10: {  	[smem:$0x3FA7] =	sst s8  }
0x11: {  	[smem:$0x3FA8] =	sst s9;
	s0 =	simm.s32 @!p0 $0x0  }
0x12: {  	s1 =	sld [smem:$0x3F8E];
	s0 =	simm.s32 @p0 $0x1  }
0x13: {  	[smem:$0x3FA9] =	sst s0;
	s0 =	simm.s32 @!p1 $0x0  }
0x14: {  	s2 =	sld [smem:$0x3F8D];
	s0 =	simm.s32 @p1 $0x1  }
0x15: {  	[smem:$0x3FAA] =	sst s0;
	s0 =	simm.s32 @!p2 $0x0  }
0x16: {  	s3 =	sld [smem:$0x3FDB];
	s0 =	simm.s32 @p2 $0x1  }
0x17: {  	s4 =	simm.s32 $0x1BF5;
	[smem:$0x3FAC] =	sst s0  }
0x18: {  	s0 =	sld [smem:$0x3F8F];
	_ =	swait.ge [sflag:s4], $0x0  }
0x19: {  	s7 =	sld [smem:$0x3F90]  }
0x1a: {  	s8 =	sadd.s32 $0xFFFFE003, lr  }
0x1b: {  	s9 =	sadd.s32 $0xFFFFFEF7, lr;
	s5 =	simm.s32 $0xFFFFFFFF;
	p2 =	slt.u32 s8, $0xFFFFF086  }
0x1c: {  	p1 =	slt.u32 s9, $0xF7A;
	s5 =	simm.s32 @!p2 $0x0  }
0x1d: {  	s5 =	simm.s32 @p1 $0x1;
	p0 =	seq.s32 s7, s2  }
0x1e: {  	s7 =	smul.u32 @!p0 $0xF7A, s2;
	p2 =	seq.s32 @!p0 s5, $0x0  }
0x1f: {  	s9 =	smul.u32 $0xF7A, s1;
	s8 =	simm.s32 @!p0 $0x1BF5;
	p2 =	por !p2, p0  }
0x20: {  	[sflag:s8] =	ssyncset.s32 @!p0 $0xFFFFF086;
	s6 =	sadd.s32 @!p0 s3, s7;
	s7 =	simm.s32 @!p0 $0x108  }
0x21: {  	s3 =	sadd.s32 s3, s9;
	s6 =	sadd.s32 @!p0 $0x88, s6;
	s7 =	simm.s32 @p2 $0x1082  }
0x22: {  	[simem:s7], [sflag:s8] =	dma.local @!p0 [hbm:s6], $0xF7A  }
0x23: {  	s9 =	sor.u32 $0xD0000000, s2;
	s6 =	simm.s32 $0x108;
	_ =	swait.ge @!p0 [sflag:s8], $0x0  }
0x24: {  	s3 =	sadd.s32 $0x88, s3;
	s6 =	simm.s32 @!p1 $0x1082;
	[sflag:s4] =	ssyncset.s32 $0xFFFFF086  }
0x25: {  	[simem:s6], [sflag:s4] =	dma.local [hbm:s3], $0xF7A  }
0x26: {  	[smem:$0x3F90] =	sst s1;
	(tag) =	ssettag s2;
	_ =	strace s9  }
0x27: {  	s1 =	sld [smem:$0x3FA0]  }
0x28: {  	s2 =	sld [smem:$0x3FA1]  }
0x29: {  	s4 =	sld [smem:$0x3FA3]  }
0x2a: {  	p0 =	seq.s32 s5, $0x0;
	s5 =	sld [smem:$0x3FA4]  }
0x2b: {  	s6 =	sld [smem:$0x3FA5]  }
0x2c: {  	s7 =	sld [smem:$0x3FA6]  }
0x2d: {  	s3 =	simm.s32 $0x108;
	s8 =	sld [smem:$0x3FA7]  }
0x2e: {  	s3 =	simm.s32 @!p0 $0x1082;
	s9 =	sld [smem:$0x3FA8]  }
0x2f: {  	lr =	sadd.s32 s0, s3;
	s0 =	sld [smem:$0x3F9F]  }
0x30: {  	s3 =	sld [smem:$0x3FA2]  }
0x31: {  	[smem:$0x3FAB] =	sst s10  }
0x32: {  	s10 =	sld [smem:$0x3FA9];
	_ =	sdelay $0x3  }
0x33: {  	p0 =	seq.s32 s10, $0x1;
	s10 =	sld [smem:$0x3FAB];
	_ =	sdelay $0x3  }
0x34: {  	[smem:$0x3FAB] =	sst s10  }
0x35: {  	s10 =	sld [smem:$0x3FAA];
	_ =	sdelay $0x3  }
0x36: {  	p1 =	seq.s32 s10, $0x1;
	s10 =	sld [smem:$0x3FAB];
	_ =	sdelay $0x3  }
0x37: {  	[smem:$0x3FAB] =	sst s10  }
0x38: {  	s10 =	sld [smem:$0x3FAC]  }
0x39: {  	_ = 	snop;
	(pc) =	sbr.ind lr, $3  }
0x3a: {  	_ = 	snop  }
0x3b: {  	_ = 	snop  }
0x3c: {  	p2 =	seq.s32 s10, $0x1;
	s10 =	sld [smem:$0x3FAB]  }
0x3d: {  	_ =	shalt  }
0x3e: {  	_ =	shalt  }
0x3f: {  	_ =	shalt  }
0x40: {  	_ =	shalt  }
0x41: {  	_ =	shalt  }
0x42: {  	_ =	shalt  }
0x43: {  	_ =	shalt  }
0x44: {  	_ =	shalt  }
0x45: {  	_ =	shalt  }
0x46: {  	_ =	shalt  }
0x47: {  	_ =	shalt  }
0x48: {  	_ =	shalt  }
0x49: {  	_ =	shalt  }
0x4a: {  	_ =	shalt  }
0x4b: {  	_ =	shalt  }
0x4c: {  	_ =	shalt  }
0x4d: {  	_ =	shalt  }
0x4e: {  	_ =	shalt  }
0x4f: {  	_ =	shalt  }
0x50: {  	_ =	shalt  }
0x51: {  	_ =	shalt  }
0x52: {  	_ =	shalt  }
0x53: {  	_ =	shalt  }
0x54: {  	_ =	shalt  }
0x55: {  	_ =	shalt  }
0x56: {  	_ =	shalt  }
0x57: {  	_ =	shalt  }
0x58: {  	_ =	shalt  }
0x59: {  	_ =	shalt  }
0x5a: {  	_ =	shalt  }
0x5b: {  	_ =	shalt  }
0x5c: {  	_ =	shalt  }
0x5d: {  	_ =	shalt  }
0x5e: {  	_ =	shalt  }
0x5f: {  	_ =	shalt  }
0x60: {  	_ =	shalt  }
0x61: {  	_ =	shalt  }
0x62: {  	_ =	shalt  }
0x63: {  	_ =	shalt  }
0x64: {  	_ =	shalt  }
0x65: {  	_ =	shalt  }
0x66: {  	_ =	shalt  }
0x67: {  	_ =	shalt  }
0x68: {  	_ =	shalt  }
0x69: {  	_ =	shalt  }
0x6a: {  	_ =	shalt  }
0x6b: {  	_ =	shalt  }
0x6c: {  	_ =	shalt  }
0x6d: {  	_ =	shalt  }
0x6e: {  	_ =	shalt  }
0x6f: {  	_ =	shalt  }
0x70: {  	_ =	shalt  }
0x71: {  	_ =	shalt  }
0x72: {  	_ =	shalt  }
0x73: {  	_ =	shalt  }
0x74: {  	_ =	shalt  }
0x75: {  	_ =	shalt  }
0x76: {  	_ =	shalt  }
0x77: {  	_ =	shalt  }
0x78: {  	_ =	shalt  }
0x79: {  	_ =	shalt  }
0x7a: {  	_ =	shalt  }
0x7b: {  	_ =	shalt  }
0x7c: {  	_ =	shalt  }
0x7d: {  	_ =	shalt  }
0x7e: {  	_ =	shalt  }
0x7f: {  	_ =	shalt  }
0x80: {  	_ =	shalt  }
0x81: {  	_ =	shalt  }
0x82: {  	_ =	shalt  }
0x83: {  	_ =	shalt  }
0x84: {  	_ =	shalt  }
0x85: {  	_ =	shalt  }
0x86: {  	_ =	shalt  }
0x87: {  	_ =	shalt  }
.Lfunc_end0:
.L_simem_size_0:
called_computation_lowered:
.L_overlay_start_0:
0x88: {  	s2 =	sld [smem:$0x3FD9]  }
0x89: {  	s3 =	sld [smem:$0x3FFE];
	_ =	sdelay $0x1  }
0x8a: {  	s1 =	srdreg.scid  }
0x8b: {  	s0 =	sand.u32 $0x1, s1  }
0x8c: {  	s17 =	sshll.u32 s0, $0xA;
	s2 =	sadd.s32 s3, s2  }
0x8d: {  	s2 =	sadd.s32 s2, s17  }
0x8e: {  	[smem:$0x3FB7] =	sst s2  }
0x8f: {  	_ = 	snop  }
0x90: {  	s2 =	sld [smem:$0x3FC9]  }
0x91: {  	s18 =	sld [smem:$0x3FC8]  }
0x92: {  	s4 =	sld [smem:$0x3FC5]  }
0x93: {  	s5 =	sld [smem:$0x3FC4]  }
0x94: {  	s6 =	sld [smem:$0x3FD0];
	(tm) =	ssettm $0x1  }
0x95: {  	s7 =	sld [smem:$0x3FFB];
	_ =	sdelay $0x3  }
0x96: {  	_ =	strace s7  }
0x97: {  	s7 =	sld [smem:$0x3FFC];
	_ =	sdelay $0x3  }
0x98: {  	_ =	strace s7  }
0x99: {  	s7 =	sld [smem:$0x3FFD];
	_ =	sdelay $0x3  }
0x9a: {  	_ =	strace s7  }
0x9b: {  	_ =	strace $0x8FFFFFFF  }
0x9c: {  	s19 =	sld [smem:$0x3FDB];
	_ =	sdelay $0x1  }
0x9d: {  	s8 =	simm.s32 $_scs_section_size  }
0x9e: {  	s9 =	simm.s32 $_size__tile_overlayer_lowered;
	s10 =	simm.s32 $_tile_overlayer_lowered  }
0x9f: {  	s22 =	simm.s32 $0x1BFF;
	s21 =	sshll.u32 s10, $0x1;
	s7 =	sadd.s32 s8, s19  }
0xa0: {  	s11 =	simm.s32 $0x0;
	s20 =	sshll.u32 s9, $0x1;
	s9 =	sadd.s32 s21, s7  }
0xa1: {  	[timem:s11], [sflag:s22] =	dma.local [hbm:s9], s20  }
0xa2: {  	_ =	swait.ge [sflag:s22], s20  }
0xa3: {  	s8 =	ssub.s32 $0x0, s20;
	[sflag:s22] =	ssyncset.done $0x0  }
0xa4: {  	[sflag:s22] =	ssyncadd.s32 s8;
	_ =	sdelay $0x1  }
0xa5: {  	s23 =	simm.s32 $0x1B8B  }
0xa6: {  	_ =	swait.ge [sflag:s23], $0x1  }
0xa7: {  	[sflag:s23] =	ssyncset.done $0x0  }
0xa8: {  	s25 =	simm.s32 $0x1B8E;
	s24 =	sld [smem:$0x3FFE];
	[sflag:s23] =	ssyncadd.s32 $0xFFFFFFFF  }
0xa9: {  	s26 =	simm.s32 $execute0_lowered;
	[smem:$0x3FD2] =	sst s25  }
0xaa: {  	s9 =	sshll.u32 s26, $0x1;
	_ =	strace $0x80000046;
	[dreg:$0x1] =	wrdreg $0xFFFFFFFF  }
0xab: {  	s28 =	simm.s32 $_size_execute0_lowered;
	s7 =	sadd.s32 s7, s9;
	[dreg:$0x0] =	wrdreg $0x0  }
0xac: {  	s9 =	sshll.u32 s28, $0x1;
	[dreg:$0x2] =	wrdreg s7  }
0xad: {  	[dreg:$0x3] =	wrdreg s9  }
0xae: {  	[dreg:$0x4] =	wrdreg $0xC0  }
0xaf: {  	_ =	task [dreg:s11], $0x5FFFF  }
0xb0: {  	[dreg:$0x1] =	wrdreg $0xFFFFFFFF  }
0xb1: {  	[dreg:$0x0] =	wrdreg $0x60  }
0xb2: {  	[dreg:$0x2] =	wrdreg s4  }
0xb3: {  	[dreg:$0x3] =	wrdreg s18  }
0xb4: {  	[dreg:$0x4] =	wrdreg s5  }
0xb5: {  	[dreg:$0x5] =	wrdreg s2  }
0xb6: {  	[dreg:$0x6] =	wrdreg s24  }
0xb7: {  	[dreg:$0x7] =	wrdreg s6  }
0xb8: {  	[dreg:$0x8] =	wrdreg $0x9  }
0xb9: {  	_ =	task.clear_ibuf [dreg:s11], $0x9FFFF;
	_ =	strace $0x90000046  }
0xba: {  	s29 =	simm.s32 $0x9;
	_ =	strace $0x80000048  }
0xbb: {  	_ =	swait.ge [sflag:s29], $0x1  }
0xbc: {  	[sflag:s29] =	ssyncadd.s32 $0xFFFFFFFF  }
0xbd: {  	_ =	strace $0x90000048  }
0xbe: {  	_ =	sfence  }
0xbf: {  	s30 =	sld [smem:$0x0];
	_ =	sdelay $0x2  }
0xc0: {  	s31 =	sshll.u32 s1, $0xD;
	s1 =	sshrl.u32 s1, $0x2  }
0xc1: {  	s3 =	sand.u32 $0x4000, s31;
	s1 =	sadd.s32 s1, s30  }
0xc2: {  	s0 =	sor.u32 s3, s0;
	s1 =	sshll.u32 s1, $0x11  }
0xc3: {  	s0 =	sor.u32 s1, s0  }
0xc4: {  	s0 =	sadd.s32 $0x8F2B, s0  }
0xc5: {  	[sflag:s0] =	ssyncadd.remote.s32 $0x1  }
0xc6: {  	_ =	sfence.sel $0xFFFF  }
0xc7: {  	[dreg:$0x0] =	wrdreg $0xFFFFFFFF;
	(pc) =	sbr.abs _section_cstart, $3  }
0xc8: {  	[dreg:$0x1] =	wrdreg $0xFFFFFFFF  }
0xc9: {  	_ =	task.clear_ibuf [dreg:s11], $0x2FFFF;
	_ =	strace $0x9FFFFFFF  }
0xca: {  	(tm) =	ssettm $0x7FFFFFFF  }
0xcb: {  	_ =	shalt  }
tec
execute0_lowered:
.L_overlay_start_1:
0x0: {  	(tag) =	ssettag $0x1  }
0x1: {  	s2 =	rddreg [dreg:$0x0]  }
0x2: {  	s7 =	rddreg [dreg:$0x1]  }
0x3: {  	s3 =	rddreg [dreg:$0x2]  }
0x4: {  	s4 =	rddreg [dreg:$0x3]  }
0x5: {  	s11 =	rddreg [dreg:$0x4]  }
0x6: {  	s1 =	srdreg.scid;
	s0 =	stileid.u32  }
0x7: {  	s5 =	rddreg [dreg:$0x5];
	s15 =	sand.u32 $0x1, s1;
	s8 =	sshll.u32 s0, $0x1  }
0x8: {  	s6 =	simm.s32 $0x0;
	s1 =	rddreg [dreg:$0x6];
	s12 =	sor.u32 s15, s8  }
0x9: {  	[smem:$0x7FF] =	sst s6;
	s8 =	sshll.u32 s12, $0x5  }
0xa: {  	_ =	strace $0x80000047;
	s7 =	sadd.s32 s7, s8;
	s8 =	simm.s32 $0x2  }
0xb: {  	[tilespmem:s6], [sflag:$0x2] =	stream.linear.gather [hbm4b:s7+s6], $0x100, $0x38;
	[tilespmem:$0x8980] =	vst v63  }
0xc: {  	_ =	swait.ge [sflag:s8], $0x100  }
0xd: {  	[sflag:s8] =	ssyncset.done $0x0  }
0xe: {  	s9 =	simm.s32 $0x100;
	s10 =	simm.s32 $0x1;
	[sflag:s8] =	ssyncadd.s32 $0xFFFFFF00  }
0xf: {  	[tilespmem:s9], [sflag:$0x1] =	stream.indirect.gather [hbm4b:s2+s9], $0x80, s6, s9, $0xb8;
	[tilespmem:$0x8980] =	vst v63  }
0x10: {  	s13 =	sshll.u32 s12, $0xC;
	_ =	swait.ge [sflag:s10], $0x8000  }
0x11: {  	s11 =	sadd.s32 s13, s11;
	[sflag:s10] =	ssyncset.done $0x0  }
0x12: {  	s11 =	sadd.s32 $0x2C00, s11;
	[sflag:s10] =	ssyncadd.s32 $0xFFFF8000  }
0x13: {  	[hbm4b:s11+s6] =	stream.linear.scatter [tilespmem:s9], [sflag:$0x2], $0x8000, $0x38;
	[tilespmem:$0x8980] =	vst v63  }
0x14: {  	s18 =	ssub.s32 $0x2, s15;
	p0 =	sne.s32 s12, $0x0;
	_ =	swait.ge [sflag:s8], $0x8000  }
0x15: {  	s19 =	sshrl.u32 s18, $0x1;
	s12 =	simm.s32 @!p0 $0x2;
	[sflag:s8] =	ssyncset.done $0x0  }
0x16: {  	s13 =	simm.s32 @!p0 $0x0;
	s14 =	simm.s32 @!p0 $0x8100;
	[sflag:s8] =	ssyncadd.s32 $0xFFFF8000  }
0x17: {  	[tilespmem:s14], [sflag:$0x2] =	stream.linear.gather @!p0 [hbm4b:s4+s13], $0x80, $0x38;
	[tilespmem:$0x8980] =	vst v63  }
0x18: {  	s15 =	simm.s32 @!p0 $0x1;
	s18 =	ssub.s32 s18, s19;
	_ =	swait.ge @!p0 [sflag:s12], $0x80  }
0x19: {  	s16 =	simm.s32 @!p0 $0x10;
	s18 =	smax.u32 s18, $0x1;
	[sflag:s12] =	ssyncset.done @!p0 $0x0  }
0x1a: {  	s17 =	simm.s32 @!p0 $0x8180;
	s18 =	sadd.s32 $0xFFFFFFFF, s18;
	[sflag:s12] =	ssyncadd.s32 @!p0 $0xFFFFFF80  }
0x1b: {  	[tilespmem:s17], [sflag:$0x1] =	stream.indirect.gather @!p0 [hbm4b:s3+s16], $0x80, s14, s16, $0xb8;
	[tilespmem:$0x8980] =	vst v63  }
0x1c: {  	p1 =	sne.s32 s18, $0x0;
	_ =	swait.ge @!p0 [sflag:s15], $0x800  }
.Ltmp0:
0x1d: {  	[sflag:s15] =	ssyncset.done @!p0 $0x0;
	(pc) =	sbr.rel @!p1 .LBB2_2-.Ltmp0, $4  }
0x1e: {  	[sflag:s15] =	ssyncadd.s32 @!p0 $0xFFFFF800  }
0x1f: {  	[hbm4b:s5+s13] =	stream.linear.scatter @!p0 [tilespmem:s17], [sflag:$0x2], $0x800, $0x38;
	[tilespmem:$0x8980] =	vst v63  }
0x20: {  	_ =	swait.ge @!p0 [sflag:s12], $0x800  }
0x21: {  	[sflag:s12] =	ssyncset.done @!p0 $0x0  }
.LBB2_1:
0x22: {  	s18 =	sadd.s32 $0xFFFFFFFF, s18;
	[sflag:s12] =	ssyncadd.s32 @!p0 $0xFFFFF800  }
0x23: {  	[tilespmem:s6], [sflag:$0x2] =	stream.linear.gather [hbm4b:s7+s6], $0x100, $0x38;
	[tilespmem:$0x8980] =	vst v63  }
0x24: {  	p1 =	sne.s32 s18, $0x0;
	_ =	swait.ge [sflag:s8], $0x100  }
0x25: {  	[sflag:s8] =	ssyncset.done $0x0  }
0x26: {  	[sflag:s8] =	ssyncadd.s32 $0xFFFFFF00  }
0x27: {  	[tilespmem:s9], [sflag:$0x1] =	stream.indirect.gather [hbm4b:s2+s9], $0x80, s6, s9, $0xb8;
	[tilespmem:$0x8980] =	vst v63  }
0x28: {  	_ =	swait.ge [sflag:s10], $0x8000  }
0x29: {  	[sflag:s10] =	ssyncset.done $0x0  }
0x2a: {  	[sflag:s10] =	ssyncadd.s32 $0xFFFF8000  }
0x2b: {  	[hbm4b:s11+s6] =	stream.linear.scatter [tilespmem:s9], [sflag:$0x2], $0x8000, $0x38;
	[tilespmem:$0x8980] =	vst v63  }
0x2c: {  	_ =	swait.ge [sflag:s8], $0x8000  }
0x2d: {  	[sflag:s8] =	ssyncset.done $0x0  }
0x2e: {  	[sflag:s8] =	ssyncadd.s32 $0xFFFF8000  }
0x2f: {  	[tilespmem:s14], [sflag:$0x2] =	stream.linear.gather @!p0 [hbm4b:s4+s13], $0x80, $0x38;
	[tilespmem:$0x8980] =	vst v63  }
0x30: {  	_ =	swait.ge @!p0 [sflag:s12], $0x80  }
0x31: {  	[sflag:s12] =	ssyncset.done @!p0 $0x0  }
0x32: {  	[sflag:s12] =	ssyncadd.s32 @!p0 $0xFFFFFF80  }
0x33: {  	[tilespmem:s17], [sflag:$0x1] =	stream.indirect.gather @!p0 [hbm4b:s3+s16], $0x80, s14, s16, $0xb8;
	[tilespmem:$0x8980] =	vst v63  }
0x34: {  	_ =	swait.ge @!p0 [sflag:s15], $0x800  }
.Ltmp1:
0x35: {  	[sflag:s15] =	ssyncset.done @!p0 $0x0;
	(pc) =	sbr.rel @p1 .LBB2_1-.Ltmp1, $4  }
0x36: {  	[sflag:s15] =	ssyncadd.s32 @!p0 $0xFFFFF800  }
0x37: {  	[hbm4b:s5+s13] =	stream.linear.scatter @!p0 [tilespmem:s17], [sflag:$0x2], $0x800, $0x38;
	[tilespmem:$0x8980] =	vst v63  }
0x38: {  	_ =	swait.ge @!p0 [sflag:s12], $0x800  }
0x39: {  	[sflag:s12] =	ssyncset.done @!p0 $0x0  }
.LBB2_2:
0x3a: {  	[sflag:s12] =	ssyncadd.s32 @!p0 $0xFFFFF800  }
0x3b: {  	_ =	sfence.sel $0x180000  }
0x3c: {  	[bflag:$0x0] =	sbarrier.arrive $0xFFFF  }
0x3d: {  	p0 =	sne.s32 s0, $0x0;
	_ =	strace $0x90000047  }
0x3e: {  	s0 =	sadd.s32 @!p0 $0x100000, s1;
	[bflag:$0x2] =	sbarrier.arrive $0xFFFF  }
0x3f: {  	[sflag:s0] =	ssyncadd.tile.s32 @!p0 $0x1;
	_ =	shalt  }
.Lfunc_end2:
_tile_overlayer_lowered:
.L_overlay_start_2:
0x40: {  	(tag) =	ssettag $0x2  }
0x41: {  	s0 =	rddreg [dreg:$0x0];
	s2 =	stileid.u32  }
0x42: {  	s1 =	rddreg [dreg:$0x1];
	p0 =	sne.s32 s2, $0x0  }
0x43: {  	s3 =	rddreg [dreg:$0x2];
	[bflag:$0x3] =	sbarrier.arrive $0xFFFF;
	s2 =	simm.s32 @!p0 $0x1C02  }
0x44: {  	[timem:s3], [sflag:s2] =	dma.local @!p0 [hbm:s0], s1  }
0x45: {  	s0 =	simm.s32 @!p0 $0x2  }
0x46: {  	_ =	swait.ge @!p0 [sflag:s0], s1  }
0x47: {  	s1 =	ssub.s32 @!p0 $0x0, s1;
	[sflag:s0] =	ssyncset.done @!p0 $0x0  }
0x48: {  	[sflag:s0] =	ssyncadd.s32 @!p0 s1  }
0x49: {  	[bflag:$0x3] =	sbarrier.arrive $0xFFFF  }
0x4a: {  	_ =	shalt  }

// kernel: kernel.9.cloned.1.call-start
scs
__scs_entry_jumppad:
0x0: {  	(pc) =	sbr.rel $0x88, $3  }
0x1: {  	(tag) =	ssettag $0x0;
	lr =	simm.s32 $0x1  }
0x2: {  	[smem:$0x3F90] =	sst lr;
	_ =	strace $0xD0000000  }
0x3: {  	_ = 	snop  }
0x4: {  	_ = 	snop  }
0x5: {  	_ = 	snop  }
0x6: {  	_ = 	snop  }
0x7: {  	_ = 	snop  }
__scs_overlays_trampoline_lowered:
0x8: {  	[smem:$0x3F9F] =	sst s0  }
0x9: {  	[smem:$0x3FA0] =	sst s1  }
0xa: {  	[smem:$0x3FA1] =	sst s2  }
0xb: {  	[smem:$0x3FA2] =	sst s3  }
0xc: {  	[smem:$0x3FA3] =	sst s4  }
0xd: {  	[smem:$0x3FA4] =	sst s5  }
0xe: {  	[smem:$0x3FA5] =	sst s6  }
0xf: {  	[smem:$0x3FA6] =	sst s7  }
0x10: {  	[smem:$0x3FA7] =	sst s8  }
0x11: {  	[smem:$0x3FA8] =	sst s9;
	s0 =	simm.s32 @!p0 $0x0  }
0x12: {  	s1 =	sld [smem:$0x3F8E];
	s0 =	simm.s32 @p0 $0x1  }
0x13: {  	[smem:$0x3FA9] =	sst s0;
	s0 =	simm.s32 @!p1 $0x0  }
0x14: {  	s2 =	sld [smem:$0x3F8D];
	s0 =	simm.s32 @p1 $0x1  }
0x15: {  	[smem:$0x3FAA] =	sst s0;
	s0 =	simm.s32 @!p2 $0x0  }
0x16: {  	s3 =	sld [smem:$0x3FDB];
	s0 =	simm.s32 @p2 $0x1  }
0x17: {  	s4 =	simm.s32 $0x1BF5;
	[smem:$0x3FAC] =	sst s0  }
0x18: {  	s0 =	sld [smem:$0x3F8F];
	_ =	swait.ge [sflag:s4], $0x0  }
0x19: {  	s7 =	sld [smem:$0x3F90]  }
0x1a: {  	s8 =	sadd.s32 $0xFFFFE003, lr  }
0x1b: {  	s9 =	sadd.s32 $0xFFFFFEF7, lr;
	s5 =	simm.s32 $0xFFFFFFFF;
	p2 =	slt.u32 s8, $0xFFFFF086  }
0x1c: {  	p1 =	slt.u32 s9, $0xF7A;
	s5 =	simm.s32 @!p2 $0x0  }
0x1d: {  	s5 =	simm.s32 @p1 $0x1;
	p0 =	seq.s32 s7, s2  }
0x1e: {  	s7 =	smul.u32 @!p0 $0xF7A, s2;
	p2 =	seq.s32 @!p0 s5, $0x0  }
0x1f: {  	s9 =	smul.u32 $0xF7A, s1;
	s8 =	simm.s32 @!p0 $0x1BF5;
	p2 =	por !p2, p0  }
0x20: {  	[sflag:s8] =	ssyncset.s32 @!p0 $0xFFFFF086;
	s6 =	sadd.s32 @!p0 s3, s7;
	s7 =	simm.s32 @!p0 $0x108  }
0x21: {  	s3 =	sadd.s32 s3, s9;
	s6 =	sadd.s32 @!p0 $0x88, s6;
	s7 =	simm.s32 @p2 $0x1082  }
0x22: {  	[simem:s7], [sflag:s8] =	dma.local @!p0 [hbm:s6], $0xF7A  }
0x23: {  	s9 =	sor.u32 $0xD0000000, s2;
	s6 =	simm.s32 $0x108;
	_ =	swait.ge @!p0 [sflag:s8], $0x0  }
0x24: {  	s3 =	sadd.s32 $0x88, s3;
	s6 =	simm.s32 @!p1 $0x1082;
	[sflag:s4] =	ssyncset.s32 $0xFFFFF086  }
0x25: {  	[simem:s6], [sflag:s4] =	dma.local [hbm:s3], $0xF7A  }
0x26: {  	[smem:$0x3F90] =	sst s1;
	(tag) =	ssettag s2;
	_ =	strace s9  }
0x27: {  	s1 =	sld [smem:$0x3FA0]  }
0x28: {  	s2 =	sld [smem:$0x3FA1]  }
0x29: {  	s4 =	sld [smem:$0x3FA3]  }
0x2a: {  	p0 =	seq.s32 s5, $0x0;
	s5 =	sld [smem:$0x3FA4]  }
0x2b: {  	s6 =	sld [smem:$0x3FA5]  }
0x2c: {  	s7 =	sld [smem:$0x3FA6]  }
0x2d: {  	s3 =	simm.s32 $0x108;
	s8 =	sld [smem:$0x3FA7]  }
0x2e: {  	s3 =	simm.s32 @!p0 $0x1082;
	s9 =	sld [smem:$0x3FA8]  }
0x2f: {  	lr =	sadd.s32 s0, s3;
	s0 =	sld [smem:$0x3F9F]  }
0x30: {  	s3 =	sld [smem:$0x3FA2]  }
0x31: {  	[smem:$0x3FAB] =	sst s10  }
0x32: {  	s10 =	sld [smem:$0x3FA9];
	_ =	sdelay $0x3  }
0x33: {  	p0 =	seq.s32 s10, $0x1;
	s10 =	sld [smem:$0x3FAB];
	_ =	sdelay $0x3  }
0x34: {  	[smem:$0x3FAB] =	sst s10  }
0x35: {  	s10 =	sld [smem:$0x3FAA];
	_ =	sdelay $0x3  }
0x36: {  	p1 =	seq.s32 s10, $0x1;
	s10 =	sld [smem:$0x3FAB];
	_ =	sdelay $0x3  }
0x37: {  	[smem:$0x3FAB] =	sst s10  }
0x38: {  	s10 =	sld [smem:$0x3FAC]  }
0x39: {  	_ = 	snop;
	(pc) =	sbr.ind lr, $3  }
0x3a: {  	_ = 	snop  }
0x3b: {  	_ = 	snop  }
0x3c: {  	p2 =	seq.s32 s10, $0x1;
	s10 =	sld [smem:$0x3FAB]  }
0x3d: {  	_ =	shalt  }
0x3e: {  	_ =	shalt  }
0x3f: {  	_ =	shalt  }
0x40: {  	_ =	shalt  }
0x41: {  	_ =	shalt  }
0x42: {  	_ =	shalt  }
0x43: {  	_ =	shalt  }
0x44: {  	_ =	shalt  }
0x45: {  	_ =	shalt  }
0x46: {  	_ =	shalt  }
0x47: {  	_ =	shalt  }
0x48: {  	_ =	shalt  }
0x49: {  	_ =	shalt  }
0x4a: {  	_ =	shalt  }
0x4b: {  	_ =	shalt  }
0x4c: {  	_ =	shalt  }
0x4d: {  	_ =	shalt  }
0x4e: {  	_ =	shalt  }
0x4f: {  	_ =	shalt  }
0x50: {  	_ =	shalt  }
0x51: {  	_ =	shalt  }
0x52: {  	_ =	shalt  }
0x53: {  	_ =	shalt  }
0x54: {  	_ =	shalt  }
0x55: {  	_ =	shalt  }
0x56: {  	_ =	shalt  }
0x57: {  	_ =	shalt  }
0x58: {  	_ =	shalt  }
0x59: {  	_ =	shalt  }
0x5a: {  	_ =	shalt  }
0x5b: {  	_ =	shalt  }
0x5c: {  	_ =	shalt  }
0x5d: {  	_ =	shalt  }
0x5e: {  	_ =	shalt  }
0x5f: {  	_ =	shalt  }
0x60: {  	_ =	shalt  }
0x61: {  	_ =	shalt  }
0x62: {  	_ =	shalt  }
0x63: {  	_ =	shalt  }
0x64: {  	_ =	shalt  }
0x65: {  	_ =	shalt  }
0x66: {  	_ =	shalt  }
0x67: {  	_ =	shalt  }
0x68: {  	_ =	shalt  }
0x69: {  	_ =	shalt  }
0x6a: {  	_ =	shalt  }
0x6b: {  	_ =	shalt  }
0x6c: {  	_ =	shalt  }
0x6d: {  	_ =	shalt  }
0x6e: {  	_ =	shalt  }
0x6f: {  	_ =	shalt  }
0x70: {  	_ =	shalt  }
0x71: {  	_ =	shalt  }
0x72: {  	_ =	shalt  }
0x73: {  	_ =	shalt  }
0x74: {  	_ =	shalt  }
0x75: {  	_ =	shalt  }
0x76: {  	_ =	shalt  }
0x77: {  	_ =	shalt  }
0x78: {  	_ =	shalt  }
0x79: {  	_ =	shalt  }
0x7a: {  	_ =	shalt  }
0x7b: {  	_ =	shalt  }
0x7c: {  	_ =	shalt  }
0x7d: {  	_ =	shalt  }
0x7e: {  	_ =	shalt  }
0x7f: {  	_ =	shalt  }
0x80: {  	_ =	shalt  }
0x81: {  	_ =	shalt  }
0x82: {  	_ =	shalt  }
0x83: {  	_ =	shalt  }
0x84: {  	_ =	shalt  }
0x85: {  	_ =	shalt  }
0x86: {  	_ =	shalt  }
0x87: {  	_ =	shalt  }
.Lfunc_end0:
.L_simem_size_0:
called_computation.1_lowered:
.L_overlay_start_0:
0x88: {  	s2 =	sld [smem:$0x3FD9]  }
0x89: {  	s3 =	sld [smem:$0x3FFE];
	_ =	sdelay $0x1  }
0x8a: {  	s1 =	srdreg.scid  }
0x8b: {  	s0 =	sand.u32 $0x1, s1  }
0x8c: {  	s17 =	sshll.u32 s0, $0xA;
	s2 =	sadd.s32 s3, s2  }
0x8d: {  	s2 =	sadd.s32 s2, s17  }
0x8e: {  	[smem:$0x3FB7] =	sst s2  }
0x8f: {  	_ = 	snop  }
0x90: {  	s18 =	sld [smem:$0x3FC8]  }
0x91: {  	s4 =	sld [smem:$0x3FC5];
	(tm) =	ssettm $0x1  }
0x92: {  	s19 =	sld [smem:$0x3FFB];
	_ =	sdelay $0x3  }
0x93: {  	_ =	strace s19  }
0x94: {  	s2 =	sld [smem:$0x3FFC];
	_ =	sdelay $0x3  }
0x95: {  	_ =	strace s2  }
0x96: {  	s2 =	sld [smem:$0x3FFD];
	_ =	sdelay $0x3  }
0x97: {  	_ =	strace s2  }
0x98: {  	_ =	strace $0x8FFFFFFF  }
0x99: {  	s20 =	sld [smem:$0x3FDB];
	_ =	sdelay $0x1  }
0x9a: {  	s5 =	simm.s32 $_scs_section_size  }
0x9b: {  	s6 =	simm.s32 $_size__tile_overlayer_lowered;
	s7 =	simm.s32 $_tile_overlayer_lowered  }
0x9c: {  	s8 =	simm.s32 $0x1BFF;
	s21 =	sshll.u32 s7, $0x1;
	s5 =	sadd.s32 s5, s20  }
0x9d: {  	s22 =	simm.s32 $0x0;
	s6 =	sshll.u32 s6, $0x1;
	s7 =	sadd.s32 s21, s5  }
0x9e: {  	[timem:s22], [sflag:s8] =	dma.local [hbm:s7], s6  }
0x9f: {  	_ =	swait.ge [sflag:s8], s6  }
0xa0: {  	s6 =	ssub.s32 $0x0, s6;
	[sflag:s8] =	ssyncset.done $0x0  }
0xa1: {  	[sflag:s8] =	ssyncadd.s32 s6;
	_ =	sdelay $0x1  }
0xa2: {  	s23 =	simm.s32 $0x1B8B  }
0xa3: {  	_ =	swait.ge [sflag:s23], $0x1  }
0xa4: {  	[sflag:s23] =	ssyncset.done $0x0  }
0xa5: {  	[sflag:s23] =	ssyncadd.s32 $0xFFFFFFFF  }
0xa6: {  	s6 =	sld [smem:$0x0]  }
0xa7: {  	s7 =	sand.u32 $0xFFFFFFFE, s1  }
0xa8: {  	p0 =	sne.s32 s1, s7  }
0xa9: {  	s7 =	sshll.u32 @p0 s7, $0xE  }
0xaa: {  	s7 =	sadd.s32 @p0 $0x11B8D, s7;
	s8 =	sshll.u32 @p0 s6, $0x11  }
0xab: {  	s7 =	sor.u32 @p0 s8, s7  }
0xac: {  	[sflag:s7] =	ssyncadd.remote.s32 @p0 $0x1;
	_ =	sdelay $0x1  }
0xad: {  	s7 =	simm.s32 @p0 $0x1B8D  }
0xae: {  	_ =	swait.eq @p0 [sflag:s7], $0x1  }
0xaf: {  	[sflag:s7] =	ssyncadd.s32 @p0 $0xFFFFFFFF  }
0xb0: {  	s8 =	sshll.u32 @!p0 s1, $0xE  }
0xb1: {  	s8 =	sor.u32 @!p0 $0x4000, s8;
	s7 =	simm.s32 @!p0 $0x1B8D  }
0xb2: {  	s6 =	sshll.u32 @!p0 s6, $0x11;
	s8 =	sadd.s32 @!p0 $0x11B8D, s8;
	_ =	swait.eq @!p0 [sflag:s7], $0x1  }
0xb3: {  	s6 =	sor.u32 @!p0 s6, s8;
	[sflag:s7] =	ssyncadd.s32 @!p0 $0xFFFFFFFF  }
0xb4: {  	s25 =	simm.s32 $0x1B8E;
	s24 =	sld [smem:$0x3FFE];
	[sflag:s6] =	ssyncadd.remote.s32 @!p0 $0x1  }
0xb5: {  	s26 =	simm.s32 $execute0_lowered;
	[smem:$0x3FD2] =	sst s25  }
0xb6: {  	s7 =	sshll.u32 s26, $0x1;
	_ =	strace $0x80000049;
	[dreg:$0x1] =	wrdreg $0xFFFFFFFF  }
0xb7: {  	s28 =	simm.s32 $_size_execute0_lowered;
	s5 =	sadd.s32 s5, s7;
	[dreg:$0x0] =	wrdreg $0x0  }
0xb8: {  	s7 =	sshll.u32 s28, $0x1;
	[dreg:$0x2] =	wrdreg s5  }
0xb9: {  	[dreg:$0x3] =	wrdreg s7  }
0xba: {  	[dreg:$0x4] =	wrdreg $0xC0  }
0xbb: {  	_ =	task [dreg:s22], $0x5FFFF  }
0xbc: {  	[dreg:$0x1] =	wrdreg $0xFFFFFFFF  }
0xbd: {  	[dreg:$0x0] =	wrdreg $0x60  }
0xbe: {  	[dreg:$0x2] =	wrdreg s4  }
0xbf: {  	[dreg:$0x3] =	wrdreg s18  }
0xc0: {  	[dreg:$0x4] =	wrdreg s24  }
0xc1: {  	[dreg:$0x5] =	wrdreg $0xA  }
0xc2: {  	_ =	task.clear_ibuf [dreg:s22], $0x6FFFF;
	_ =	strace $0x90000049  }
0xc3: {  	s29 =	simm.s32 $0xA;
	_ =	strace $0x8000004B  }
0xc4: {  	_ =	swait.ge [sflag:s29], $0x1  }
0xc5: {  	[sflag:s29] =	ssyncadd.s32 $0xFFFFFFFF  }
0xc6: {  	_ =	strace $0x9000004B  }
0xc7: {  	_ =	sfence  }
0xc8: {  	s30 =	sld [smem:$0x0];
	_ =	sdelay $0x2  }
0xc9: {  	s31 =	sshll.u32 s1, $0xD;
	s1 =	sshrl.u32 s1, $0x2  }
0xca: {  	s4 =	sand.u32 $0x4000, s31;
	s1 =	sadd.s32 s1, s30  }
0xcb: {  	s0 =	sor.u32 s4, s0;
	s1 =	sshll.u32 s1, $0x11  }
0xcc: {  	s0 =	sor.u32 s1, s0  }
0xcd: {  	s0 =	sadd.s32 $0x8F2B, s0  }
0xce: {  	[sflag:s0] =	ssyncadd.remote.s32 $0x1  }
0xcf: {  	_ =	sfence.sel $0xFFFF  }
0xd0: {  	[dreg:$0x0] =	wrdreg $0xFFFFFFFF;
	(pc) =	sbr.abs _section_cstart, $3  }
0xd1: {  	[dreg:$0x1] =	wrdreg $0xFFFFFFFF  }
0xd2: {  	_ =	task.clear_ibuf [dreg:s22], $0x2FFFF;
	_ =	strace $0x9FFFFFFF  }
0xd3: {  	(tm) =	ssettm $0x7FFFFFFF  }
tec
execute0_lowered:
.L_overlay_start_1:
0x0: {  	(tag) =	ssettag $0x1  }
0x1: {  	s2 =	srdreg.scid  }
0x2: {  	s1 =	rddreg [dreg:$0x0];
	s0 =	stileid.u32;
	s6 =	sand.u32 $0x1, s2  }
0x3: {  	s4 =	rddreg [dreg:$0x1];
	s30 =	sshll.u32 s0, $0x9;
	s3 =	sshll.u32 s6, $0x8  }
0x4: {  	s8 =	rddreg [dreg:$0x2];
	s7 =	simm.s32 $0x1;
	s9 =	sor.u32 s3, s30  }
0x5: {  	s2 =	rddreg [dreg:$0x3];
	s3 =	simm.s32 $0x0;
	s5 =	sshrl.u32 s9, $0x3  }
0x6: {  	s10 =	ssub.s32 $0x2, s6;
	[smem:$0x7FF] =	sst s3;
	s4 =	sadd.s32 s5, s4  }
0x7: {  	_ =	strace $0x8000004A;
	s5 =	sadd.s32 $0x400, s4;
	s4 =	simm.s32 $0x2  }
0x8: {  	[tilespmem:s3], [sflag:$0x2] =	stream.linear.gather [hbm4b:s5+s3], $0x100, $0x38;
	[tilespmem:$0x8100] =	vst v63  }
0x9: {  	s6 =	simm.s32 $0x100;
	s11 =	sshrl.u32 s10, $0x1;
	_ =	swait.ge [sflag:s4], $0x100  }
0xa: {  	s9 =	sshll.u32 s9, $0x4;
	s31 =	ssub.s32 s10, s11;
	[sflag:s4] =	ssyncset.done $0x0  }
0xb: {  	s8 =	sadd.s32 s9, s8;
	s9 =	smax.u32 s31, $0x1;
	[sflag:s4] =	ssyncadd.s32 $0xFFFFFF00  }
0xc: {  	[tilespmem:s6], [sflag:$0x1] =	stream.indirect.gather [hbm4b:s1+s6], $0x80, s3, s6, $0xb8;
	[tilespmem:$0x8100] =	vst v63  }
0xd: {  	p0 =	sne.s32 s9, $0x1;
	_ =	swait.ge [sflag:s7], $0x8000  }
.Ltmp0:
0xe: {  	[sflag:s7] =	ssyncset.done $0x0;
	(pc) =	sbr.rel @!p0 .LBB2_2-.Ltmp0, $4  }
0xf: {  	s8 =	sadd.s32 $0x22C00, s8;
	[sflag:s7] =	ssyncadd.s32 $0xFFFF8000  }
0x10: {  	[hbm4b:s8+s3] =	stream.linear.scatter [tilespmem:s6], [sflag:$0x2], $0x8000, $0x38;
	[tilespmem:$0x8100] =	vst v63  }
0x11: {  	_ =	swait.ge [sflag:s4], $0x8000  }
0x12: {  	s9 =	sadd.s32 $0xFFFFFFFF, s9;
	[sflag:s4] =	ssyncset.done $0x0  }
.LBB2_1:
0x13: {  	p0 =	sne.s32 s9, $0x1;
	s9 =	sadd.s32 $0xFFFFFFFF, s9;
	[sflag:s4] =	ssyncadd.s32 $0xFFFF8000  }
0x14: {  	[tilespmem:s3], [sflag:$0x2] =	stream.linear.gather [hbm4b:s5+s3], $0x100, $0x38;
	[tilespmem:$0x8100] =	vst v63  }
0x15: {  	_ =	swait.ge [sflag:s4], $0x100  }
0x16: {  	[sflag:s4] =	ssyncset.done $0x0  }
0x17: {  	[sflag:s4] =	ssyncadd.s32 $0xFFFFFF00  }
0x18: {  	[tilespmem:s6], [sflag:$0x1] =	stream.indirect.gather [hbm4b:s1+s6], $0x80, s3, s6, $0xb8;
	[tilespmem:$0x8100] =	vst v63  }
0x19: {  	_ =	swait.ge [sflag:s7], $0x8000  }
.Ltmp1:
0x1a: {  	[sflag:s7] =	ssyncset.done $0x0;
	(pc) =	sbr.rel @p0 .LBB2_1-.Ltmp1, $4  }
0x1b: {  	[sflag:s7] =	ssyncadd.s32 $0xFFFF8000  }
0x1c: {  	[hbm4b:s8+s3] =	stream.linear.scatter [tilespmem:s6], [sflag:$0x2], $0x8000, $0x38;
	[tilespmem:$0x8100] =	vst v63  }
0x1d: {  	_ =	swait.ge [sflag:s4], $0x8000  }
0x1e: {  	[sflag:s4] =	ssyncset.done $0x0  }
.LBB2_2:
0x1f: {  	[sflag:s4] =	ssyncadd.s32 $0xFFFF8000  }
0x20: {  	_ =	sfence.sel $0x180000  }
0x21: {  	[bflag:$0x0] =	sbarrier.arrive $0xFFFF  }
0x22: {  	p0 =	sne.s32 s0, $0x0;
	_ =	strace $0x9000004A  }
0x23: {  	s0 =	sadd.s32 @!p0 $0x100000, s2;
	[bflag:$0x2] =	sbarrier.arrive $0xFFFF  }
0x24: {  	[sflag:s0] =	ssyncadd.tile.s32 @!p0 $0x1;
	_ =	shalt  }
.Lfunc_end2:
_tile_overlayer_lowered:
.L_overlay_start_2:
0x25: {  	(tag) =	ssettag $0x2  }
0x26: {  	s0 =	rddreg [dreg:$0x0];
	s2 =	stileid.u32  }
0x27: {  	s1 =	rddreg [dreg:$0x1];
	p0 =	sne.s32 s2, $0x0  }
0x28: {  	s3 =	rddreg [dreg:$0x2];
	[bflag:$0x3] =	sbarrier.arrive $0xFFFF;
	s2 =	simm.s32 @!p0 $0x1C02  }
0x29: {  	[timem:s3], [sflag:s2] =	dma.local @!p0 [hbm:s0], s1  }
0x2a: {  	s0 =	simm.s32 @!p0 $0x2  }
0x2b: {  	_ =	swait.ge @!p0 [sflag:s0], s1  }
0x2c: {  	s1 =	ssub.s32 @!p0 $0x0, s1;
	[sflag:s0] =	ssyncset.done @!p0 $0x0  }
0x2d: {  	[sflag:s0] =	ssyncadd.s32 @!p0 s1  }
0x2e: {  	[bflag:$0x3] =	sbarrier.arrive $0xFFFF  }
0x2f: {  	_ =	shalt  }

</sc_bundles>
